<compile_context>
chip_gen: v7x
topology: tpu7x:2x2x1
jax: 0.10.2.dev20260603
libtpu: 0.0.44.dev20260713+nightly
codegen_flags: <defaults>
</compile_context>

<pallas_src>
import functools

import jax
import jax.numpy as jnp
from jax import lax
from jax.experimental import pallas as pl
from jax.experimental.pallas import tpu as pltpu
from jax.experimental.pallas import tpu_sc as plsc

N = 10000
E = 320000
D_IN = 128
HIDDEN = 16
NUM_CLASSES = 40

NC = 2
NS = 16
NW = NC * NS
CHUNK = 125
CH = 80
EPT = CH * CHUNK
N_PAD = 10240
ROWS_PER_TILE = N_PAD // NS
NF = N * HIDDEN // 128
NPF = N_PAD * HIDDEN // 128
NT = N_PAD // 8

_mesh = plsc.VectorSubcoreMesh(core_axis_name="c", subcore_axis_name="s")
_sc_params = pltpu.CompilerParams(use_tc_tiling_on_sc=False)
_sc_params_reg = pltpu.CompilerParams(use_tc_tiling_on_sc=False,
                                      needs_layout_passes=False)


def _zero_vmem(buf, d):
    def body(r, _):
        for l in range(d // 16):
            buf[r, pl.ds(16 * l, 16)] = jnp.zeros((16,), jnp.float32)
        return 0
    lax.fori_loop(0, 128, body, 0)


def _make_degree_kernel():

    @functools.partial(
        pl.kernel,
        out_type=jax.ShapeDtypeStruct((NW, 8, NT), jnp.float32),
        mesh=_mesh,
        compiler_params=_sc_params_reg,
        scratch_types=[
            pltpu.VMEM((EPT // 16, 16), jnp.int32),
            pltpu.VMEM((8, NT), jnp.float32),
        ],
    )
    def deg_kernel(col_hbm, out_hbm, col_v, hist):
        c = lax.axis_index("c")
        s = lax.axis_index("s")
        w = c * NS + s
        pltpu.sync_copy(col_hbm.at[w], col_v)

        def zero(i, _):
            for j in range(8):
                hist[j, pl.ds(i * 16, 16)] = jnp.zeros((16,), jnp.float32)
            return 0
        lax.fori_loop(0, NT // 16, zero, 0)

        ones = jnp.ones((16,), jnp.float32)

        def step(j, _):
            n = col_v[j]
            plsc.addupdate_scatter(hist, [n & 7, n >> 3], ones)
            return 0
        lax.fori_loop(0, EPT // 16, step, 0)
        pltpu.sync_copy(hist, out_hbm.at[w])

    return deg_kernel


def _make_agg_kernel(d):

    @functools.partial(
        pl.kernel,
        out_type=jax.ShapeDtypeStruct((NC, N_PAD, d), jnp.float32),
        mesh=_mesh,
        compiler_params=_sc_params,
        scratch_types=[
            pltpu.VMEM((CH, CHUNK), jnp.int32),
            pltpu.VMEM((CH, CHUNK), jnp.int32),
            [pltpu.VMEM((CHUNK, d), jnp.float32) for _ in range(4)],
            pltpu.VMEM((128, d), jnp.float32),
            pltpu.VMEM_SHARED((N_PAD, d), jnp.float32),
            [pltpu.SemaphoreType.DMA for _ in range(4)],
            [pltpu.SemaphoreType.DMA for _ in range(4)],
        ],
    )
    def agg_kernel(table_hbm, row_hbm, col_hbm, out_hbm,
                   row_v, col_v, bufs, zero_v, acc, gsems, ssems):
        c = lax.axis_index("c")
        s = lax.axis_index("s")
        w = c * NS + s
        pltpu.sync_copy(row_hbm.at[w], row_v)
        pltpu.sync_copy(col_hbm.at[w], col_v)
        _zero_vmem(zero_v, d)
        for i in range(ROWS_PER_TILE // 128):
            pltpu.sync_copy(zero_v, acc.at[pl.ds(s * ROWS_PER_TILE + i * 128, 128)])
        plsc.subcore_barrier()

        def gather(k, b):
            pltpu.async_copy(table_hbm.at[row_v.at[k]], bufs[b], gsems[b])

        def scatter(k, b):
            pltpu.async_copy(bufs[b], acc.at[col_v.at[k]], ssems[b], add=True)

        gather(0, 0)
        gather(1, 1)

        def step(k, b):
            pltpu.make_async_copy(table_hbm.at[row_v.at[k]], bufs[b], gsems[b]).wait()
            scatter(k, b)
            br = (b + 2) % 4

            @pl.when(k + 2 < CH)
            def _():
                @pl.when(k >= 2)
                def _():
                    pltpu.make_async_copy(
                        bufs[br], acc.at[col_v.at[k - 2]], ssems[br]).wait()
                gather(k + 2, br)

        def step4(k0, _):
            for b in range(4):
                step(k0 * 4 + b, b)
            return 0

        lax.fori_loop(0, CH // 4, step4, 0)
        for i in range(4):
            k = CH - 4 + i
            pltpu.make_async_copy(bufs[k % 4], acc.at[col_v.at[k]], ssems[k % 4]).wait()
        plsc.subcore_barrier()
        sl = pl.ds(s * ROWS_PER_TILE, ROWS_PER_TILE)
        pltpu.sync_copy(acc.at[sl], out_hbm.at[c, sl])

    return agg_kernel


_deg_kernel = _make_degree_kernel()
_agg16 = _make_agg_kernel(HIDDEN)



def _tc1_body(x8_ref, w1b_ref, degt_ref, g1f_ref, dinvf_ref):
    deg8t = jnp.sum(degt_ref[...], axis=0) + 1.0
    dinv8t = lax.rsqrt(deg8t)
    jj = lax.broadcasted_iota(jnp.int32, (8, 128), 0)
    ll = lax.broadcasted_iota(jnp.int32, (8, 128), 1)
    spread = jnp.where(ll // HIDDEN == jj, 1.0, 0.0)
    dinvf = lax.dot_general(dinv8t, spread, (((0,), (0,)), ((), ())),
                            preferred_element_type=jnp.float32)[:NF]
    hf = jnp.dot(x8_ref[...], w1b_ref[...],
                 preferred_element_type=jnp.float32)[:NF]
    g1f_ref[...] = hf * dinvf
    dinvf_ref[...] = dinvf


def _tc1(x8, W1B, degt):
    return pl.pallas_call(
        _tc1_body,
        out_shape=[
            jax.ShapeDtypeStruct((NF, 128), jnp.float32),
            jax.ShapeDtypeStruct((NF, 128), jnp.float32),
        ],
    )(x8, W1B, degt)


def _tc2_body(s1pf_ref, g1f_ref, dinvf_ref, b1t_ref, uf_ref):
    agg = s1pf_ref[0, :NF] + s1pf_ref[1, :NF] + g1f_ref[...]
    dinvf = dinvf_ref[...]
    h = jnp.maximum(agg * dinvf + b1t_ref[...], 0.0)
    uf_ref[...] = h * dinvf


def _tc2(s1pf, g1f, dinvf, b1t):
    return pl.pallas_call(
        _tc2_body,
        out_shape=jax.ShapeDtypeStruct((NF, 128), jnp.float32),
    )(s1pf, g1f, dinvf, b1t)


def _tc3_body(s2pf_ref, uf_ref, dinvf_ref, w2b_ref, b2t_ref, out_ref):
    nc = NUM_CLASSES
    aggf = (s2pf_ref[0, :NF] + s2pf_ref[1, :NF] + uf_ref[...]) * dinvf_ref[...]
    t = jnp.dot(aggf, w2b_ref[...], preferred_element_type=jnp.float32)
    t = t + b2t_ref[...]
    ms = jnp.concatenate(
        [jnp.broadcast_to(
            jnp.max(t[:, nc * j:nc * (j + 1)], axis=1, keepdims=True), (NF, nc))
         for j in range(8)], axis=1)
    em = jnp.exp(t - ms)
    lse = jnp.concatenate(
        [jnp.broadcast_to(
            jnp.log(jnp.sum(em[:, nc * j:nc * (j + 1)], axis=1, keepdims=True)),
            (NF, nc))
         for j in range(8)], axis=1)
    out_ref[...] = t - ms - lse


def _tc3(s2pf, uf, dinvf, W2B2, b2t):
    return pl.pallas_call(
        _tc3_body,
        out_shape=jax.ShapeDtypeStruct((NF, 8 * NUM_CLASSES), jnp.float32),
    )(s2pf, uf, dinvf, W2B2, b2t)


def kernel(x, edge_index, W1, b1, W2, b2):
    row_r = edge_index[0].reshape(NW, CH, CHUNK)
    col_r = edge_index[1].reshape(NW, CH, CHUNK)
    col_d = edge_index[1].reshape(NW, EPT // 16, 16)

    x8 = jnp.pad(x, ((0, 48), (0, 0))).reshape(1256, 8 * D_IN)
    W1B = (jnp.eye(8, dtype=jnp.float32)[:, None, :, None]
           * W1[None, :, None, :]).reshape(8 * D_IN, 128)
    b1t = jnp.tile(b1, 128 // HIDDEN)

    degp = _deg_kernel(col_d)
    g1f, dinvf = _tc1(x8, W1B, degp)
    s1p = _agg16(g1f.reshape(N, HIDDEN), row_r, col_r)
    uf = _tc2(s1p.reshape(NC, NPF, 128), g1f, dinvf, b1t)
    W2B2 = (jnp.eye(8, dtype=jnp.float32)[:, None, :, None]
            * W2[None, :, None, :]).reshape(128, 8 * NUM_CLASSES)
    b2t = jnp.tile(b2, 8)
    s2p = _agg16(uf.reshape(N, HIDDEN), row_r, col_r)
    out = _tc3(s2p.reshape(NC, NPF, 128), uf, dinvf, W2B2, b2t)
    return out.reshape(N, NUM_CLASSES)

# --- scband reference (transcript-rebuilt; emitter-appended) ---
"""Pipeline reference for scband-net-26852135534930 (READ-ONLY COPY).

The authoritative reference and input builder live on the scoring server;
editing this copy changes nothing except your own understanding.
"""

import jax, jax.numpy as jnp
import numpy as np

N = 10000
E = 320000
D_IN = 128
HIDDEN = 16
NUM_CLASSES = 40


def setup_inputs(seed: int = 0) -> dict:
    key = jax.random.key(seed)
    k1, k2, k3, k4, k5, k6 = jax.random.split(key, 6)
    x = jax.random.normal(k1, (N, D_IN), dtype=jnp.float32)
    edge_index = jax.random.randint(k2, (2, E), 0, N, dtype=jnp.int32)
    # GCNConv learned parameters (glorot-style init)
    W1 = jax.random.normal(k3, (D_IN, HIDDEN), dtype=jnp.float32) * (1.0 / np.sqrt(D_IN))
    b1 = jnp.zeros((HIDDEN,), dtype=jnp.float32)
    W2 = jax.random.normal(k4, (HIDDEN, NUM_CLASSES), dtype=jnp.float32) * (1.0 / np.sqrt(HIDDEN))
    b2 = jnp.zeros((NUM_CLASSES,), dtype=jnp.float32)
    return {"x": x, "edge_index": edge_index, "W1": W1, "b1": b1, "W2": W2, "b2": b2}


def _gcn_conv(x, edge_index, W, b):
    # Faithful GCNConv: add self-loops, symmetric degree normalization,
    # linear transform, scatter-add aggregation, bias.
    num_nodes = x.shape[0]
    row = edge_index[0]
    col = edge_index[1]
    loop = jnp.arange(num_nodes, dtype=row.dtype)
    row = jnp.concatenate([row, loop])
    col = jnp.concatenate([col, loop])
    deg = jnp.zeros((num_nodes,), dtype=x.dtype).at[col].add(1.0)
    deg_inv_sqrt = jnp.where(deg > 0, jax.lax.rsqrt(jnp.maximum(deg, 1e-12)), 0.0)
    norm = deg_inv_sqrt[row] * deg_inv_sqrt[col]
    h = x @ W
    msg = h[row] * norm[:, None]
    out = jnp.zeros((num_nodes, W.shape[1]), dtype=x.dtype).at[col].add(msg)
    return out + b


def reference(x, edge_index, W1, b1, W2, b2):
    h = jax.nn.relu(_gcn_conv(x, edge_index, W1, b1))
    # F.dropout(training=self.training): eval mode -> identity
    out = _gcn_conv(h, edge_index, W2, b2)
    return jax.nn.log_softmax(out, axis=1)

if __name__ == "__main__":
    import jax
    _d = setup_inputs()
    print(jax.jit(kernel)(*tuple(_d.values())))

</pallas_src>

<mosaic_0001>
#map = affine_map<(d0, d1) -> (0, 0)>
#map1 = affine_map<(d0, d1) -> (0, 0, 0)>
module attributes {stable_mosaic.version = 14 : i64} {
  func.func @agg_kernel(%arg0: i32, %arg1: i32, %arg2: memref<10000x16xf32, #tpu.memory_space<hbm>>, %arg3: memref<32x80x125xi32, #tpu.memory_space<hbm>>, %arg4: memref<32x80x125xi32, #tpu.memory_space<hbm>>, %arg5: memref<2x10240x16xf32, #tpu.memory_space<hbm>>, %arg6: memref<80x125xi32, #tpu.memory_space<vmem>>, %arg7: memref<80x125xi32, #tpu.memory_space<vmem>>, %arg8: memref<125x16xf32, #tpu.memory_space<vmem>>, %arg9: memref<125x16xf32, #tpu.memory_space<vmem>>, %arg10: memref<125x16xf32, #tpu.memory_space<vmem>>, %arg11: memref<125x16xf32, #tpu.memory_space<vmem>>, %arg12: memref<128x16xf32, #tpu.memory_space<vmem>>, %arg13: memref<10240x16xf32, #tpu.memory_space<vmem_shared>>, %arg14: memref<!tpu.dma_semaphore, #tpu.memory_space<semaphore_mem>>, %arg15: memref<!tpu.dma_semaphore, #tpu.memory_space<semaphore_mem>>, %arg16: memref<!tpu.dma_semaphore, #tpu.memory_space<semaphore_mem>>, %arg17: memref<!tpu.dma_semaphore, #tpu.memory_space<semaphore_mem>>, %arg18: memref<!tpu.dma_semaphore, #tpu.memory_space<semaphore_mem>>, %arg19: memref<!tpu.dma_semaphore, #tpu.memory_space<semaphore_mem>>, %arg20: memref<!tpu.dma_semaphore, #tpu.memory_space<semaphore_mem>>, %arg21: memref<!tpu.dma_semaphore, #tpu.memory_space<semaphore_mem>>) attributes {dimension_semantics = [#tpu.dimension_semantics<core_parallel>, #tpu.dimension_semantics<subcore_parallel>], iteration_bounds = array<i64: 2, 16>, scalar_prefetch = 0 : i64, scratch_operands = 16 : i64, tpu.core_type = #tpu.core_type<sc_vector_subcore>, window_params = [{transform_indices = #map}, {transform_indices = #map1}, {transform_indices = #map1}, {transform_indices = #map1}]} {
    %mul3A = arith.constant 16 : i32
    %mul3A_0 = arith.muli %arg0, %mul3A : i32
    %add3A = arith.addi %mul3A_0, %arg1 : i32
    "tpu.region"() ({
      %run_scoped3A = tpu.sem_alloc : memref<!tpu.dma_semaphore, #tpu.memory_space<semaphore_mem>>
      %dma_start3A_77 = arith.constant 0 : i32
      %dma_start3A_78 = arith.constant 0 : i32
      %dma_start3A_79 = tpu.memref_slice %arg3[%add3A, %dma_start3A_77, %dma_start3A_78] : memref<32x80x125xi32, #tpu.memory_space<hbm>> -> memref<1x80x125xi32, #tpu.memory_space<hbm>>
      %dma_start3A_80 = tpu.memref_squeeze %dma_start3A_79 : memref<1x80x125xi32, #tpu.memory_space<hbm>> -> memref<80x125xi32, #tpu.memory_space<hbm>>
      %dma_start3A_81 = arith.constant 0 : i32
      %dma_start3A_82 = arith.constant 0 : i32
      %dma_start3A_83 = tpu.memref_slice %arg3[%add3A, %dma_start3A_81, %dma_start3A_82] : memref<32x80x125xi32, #tpu.memory_space<hbm>> -> memref<1x80x125xi32, #tpu.memory_space<hbm>>
      %dma_start3A_84 = tpu.memref_squeeze %dma_start3A_83 : memref<1x80x125xi32, #tpu.memory_space<hbm>> -> memref<80x125xi32, #tpu.memory_space<hbm>>
      tpu.enqueue_dma source(%dma_start3A_84 : memref<80x125xi32, #tpu.memory_space<hbm>>) target(%arg6 : memref<80x125xi32, #tpu.memory_space<vmem>>) target_semaphore(%run_scoped3A : memref<!tpu.dma_semaphore, #tpu.memory_space<semaphore_mem>>)
      %dma_wait3A_85 = arith.constant 0 : i32
      %dma_wait3A_86 = arith.constant 0 : i32
      %dma_wait3A_87 = tpu.memref_slice %arg3[%add3A, %dma_wait3A_85, %dma_wait3A_86] : memref<32x80x125xi32, #tpu.memory_space<hbm>> -> memref<1x80x125xi32, #tpu.memory_space<hbm>>
      %dma_wait3A_88 = tpu.memref_squeeze %dma_wait3A_87 : memref<1x80x125xi32, #tpu.memory_space<hbm>> -> memref<80x125xi32, #tpu.memory_space<hbm>>
      %dma_wait3A_89 = arith.constant 0 : i32
      %dma_wait3A_90 = arith.constant 0 : i32
      %dma_wait3A_91 = tpu.memref_slice %arg3[%add3A, %dma_wait3A_89, %dma_wait3A_90] : memref<32x80x125xi32, #tpu.memory_space<hbm>> -> memref<1x80x125xi32, #tpu.memory_space<hbm>>
      %dma_wait3A_92 = tpu.memref_squeeze %dma_wait3A_91 : memref<1x80x125xi32, #tpu.memory_space<hbm>> -> memref<80x125xi32, #tpu.memory_space<hbm>>
      tpu.wait_dma2 semaphore(%run_scoped3A : memref<!tpu.dma_semaphore, #tpu.memory_space<semaphore_mem>>) src(%dma_wait3A_92 : memref<80x125xi32, #tpu.memory_space<hbm>>) dst(%arg6 : memref<80x125xi32, #tpu.memory_space<vmem>>)
      tpu.yield
    }) : () -> ()
    "tpu.region"() ({
      %run_scoped3A = tpu.sem_alloc : memref<!tpu.dma_semaphore, #tpu.memory_space<semaphore_mem>>
      %dma_start3A_77 = arith.constant 0 : i32
      %dma_start3A_78 = arith.constant 0 : i32
      %dma_start3A_79 = tpu.memref_slice %arg4[%add3A, %dma_start3A_77, %dma_start3A_78] : memref<32x80x125xi32, #tpu.memory_space<hbm>> -> memref<1x80x125xi32, #tpu.memory_space<hbm>>
      %dma_start3A_80 = tpu.memref_squeeze %dma_start3A_79 : memref<1x80x125xi32, #tpu.memory_space<hbm>> -> memref<80x125xi32, #tpu.memory_space<hbm>>
      %dma_start3A_81 = arith.constant 0 : i32
      %dma_start3A_82 = arith.constant 0 : i32
      %dma_start3A_83 = tpu.memref_slice %arg4[%add3A, %dma_start3A_81, %dma_start3A_82] : memref<32x80x125xi32, #tpu.memory_space<hbm>> -> memref<1x80x125xi32, #tpu.memory_space<hbm>>
      %dma_start3A_84 = tpu.memref_squeeze %dma_start3A_83 : memref<1x80x125xi32, #tpu.memory_space<hbm>> -> memref<80x125xi32, #tpu.memory_space<hbm>>
      tpu.enqueue_dma source(%dma_start3A_84 : memref<80x125xi32, #tpu.memory_space<hbm>>) target(%arg7 : memref<80x125xi32, #tpu.memory_space<vmem>>) target_semaphore(%run_scoped3A : memref<!tpu.dma_semaphore, #tpu.memory_space<semaphore_mem>>)
      %dma_wait3A_85 = arith.constant 0 : i32
      %dma_wait3A_86 = arith.constant 0 : i32
      %dma_wait3A_87 = tpu.memref_slice %arg4[%add3A, %dma_wait3A_85, %dma_wait3A_86] : memref<32x80x125xi32, #tpu.memory_space<hbm>> -> memref<1x80x125xi32, #tpu.memory_space<hbm>>
      %dma_wait3A_88 = tpu.memref_squeeze %dma_wait3A_87 : memref<1x80x125xi32, #tpu.memory_space<hbm>> -> memref<80x125xi32, #tpu.memory_space<hbm>>
      %dma_wait3A_89 = arith.constant 0 : i32
      %dma_wait3A_90 = arith.constant 0 : i32
      %dma_wait3A_91 = tpu.memref_slice %arg4[%add3A, %dma_wait3A_89, %dma_wait3A_90] : memref<32x80x125xi32, #tpu.memory_space<hbm>> -> memref<1x80x125xi32, #tpu.memory_space<hbm>>
      %dma_wait3A_92 = tpu.memref_squeeze %dma_wait3A_91 : memref<1x80x125xi32, #tpu.memory_space<hbm>> -> memref<80x125xi32, #tpu.memory_space<hbm>>
      tpu.wait_dma2 semaphore(%run_scoped3A : memref<!tpu.dma_semaphore, #tpu.memory_space<semaphore_mem>>) src(%dma_wait3A_92 : memref<80x125xi32, #tpu.memory_space<hbm>>) dst(%arg7 : memref<80x125xi32, #tpu.memory_space<vmem>>)
      tpu.yield
    }) : () -> ()
    %scan3A = arith.constant 0 : i32
    %scan3A_1 = arith.constant 0 : i32
    %scan3A_2 = arith.constant 128 : i32
    %scan3A_3 = arith.addi %scan3A_1, %scan3A_2 : i32
    %scan3A_4 = arith.constant 1 : i32
    %scan3A_5 = scf.for %scan3A_77 = %scan3A_1 to %scan3A_3 step %scan3A_4 iter_args(%scan3A_78 = %scan3A) -> (i32)  : i32 {
      %broadcast_in_dim3A = arith.constant 0.000000e+00 : f32
      %broadcast_in_dim3A_79 = vector.broadcast %broadcast_in_dim3A : f32 to vector<16xf32>
      %swap3A = arith.index_cast %scan3A_77 : i32 to index
      %swap3A_80 = arith.constant 0 : index
      %swap3A_81 = tpu.vector_load %arg12[%swap3A, %swap3A_80] {strides = array<i32>} : memref<128x16xf32, #tpu.memory_space<vmem>>, vector<1x16xf32>,
      %swap3A_82 = vector.shape_cast %swap3A_81 : vector<1x16xf32> to vector<16xf32>
      %swap3A_83 = vector.shape_cast %broadcast_in_dim3A_79 : vector<16xf32> to vector<1x16xf32>
      tpu.vector_store %arg12[%swap3A, %swap3A_80], %swap3A_83 {strides = array<i32>} : memref<128x16xf32, #tpu.memory_space<vmem>>, vector<1x16xf32>,
      %scan3A_84 = arith.constant 0 : i32
      scf.yield %scan3A_84 : i32
    }
    %scan3A_6 = arith.constant 128 : i32
    %mul3A_7 = arith.constant 640 : i32
    %mul3A_8 = arith.muli %arg1, %mul3A_7 : i32
    %add3A_9 = arith.constant 0 : i32
    %add3A_10 = arith.addi %mul3A_8, %add3A_9 : i32
    "tpu.region"() ({
      %run_scoped3A = tpu.sem_alloc : memref<!tpu.dma_semaphore, #tpu.memory_space<semaphore_mem>>
      %dma_start3A_77 = arith.constant 0 : i32
      %dma_start3A_78 = tpu.memref_slice %arg13[%add3A_10, %dma_start3A_77] : memref<10240x16xf32, #tpu.memory_space<vmem_shared>> -> memref<128x16xf32, #tpu.memory_space<vmem_shared>>
      %dma_start3A_79 = arith.constant 0 : i32
      %dma_start3A_80 = tpu.memref_slice %arg13[%add3A_10, %dma_start3A_79] : memref<10240x16xf32, #tpu.memory_space<vmem_shared>> -> memref<128x16xf32, #tpu.memory_space<vmem_shared>>
      tpu.enqueue_dma source(%arg12 : memref<128x16xf32, #tpu.memory_space<vmem>>) target(%dma_start3A_80 : memref<128x16xf32, #tpu.memory_space<vmem_shared>>) target_semaphore(%run_scoped3A : memref<!tpu.dma_semaphore, #tpu.memory_space<semaphore_mem>>)
      %dma_wait3A_81 = arith.constant 0 : i32
      %dma_wait3A_82 = tpu.memref_slice %arg13[%add3A_10, %dma_wait3A_81] : memref<10240x16xf32, #tpu.memory_space<vmem_shared>> -> memref<128x16xf32, #tpu.memory_space<vmem_shared>>
      %dma_wait3A_83 = arith.constant 0 : i32
      %dma_wait3A_84 = tpu.memref_slice %arg13[%add3A_10, %dma_wait3A_83] : memref<10240x16xf32, #tpu.memory_space<vmem_shared>> -> memref<128x16xf32, #tpu.memory_space<vmem_shared>>
      tpu.wait_dma2 semaphore(%run_scoped3A : memref<!tpu.dma_semaphore, #tpu.memory_space<semaphore_mem>>) src(%arg12 : memref<128x16xf32, #tpu.memory_space<vmem>>) dst(%dma_wait3A_84 : memref<128x16xf32, #tpu.memory_space<vmem_shared>>)
      tpu.yield
    }) : () -> ()
    %mul3A_11 = arith.constant 640 : i32
    %mul3A_12 = arith.muli %arg1, %mul3A_11 : i32
    %add3A_13 = arith.constant 128 : i32
    %add3A_14 = arith.addi %mul3A_12, %add3A_13 : i32
    "tpu.region"() ({
      %run_scoped3A = tpu.sem_alloc : memref<!tpu.dma_semaphore, #tpu.memory_space<semaphore_mem>>
      %dma_start3A_77 = arith.constant 0 : i32
      %dma_start3A_78 = tpu.memref_slice %arg13[%add3A_14, %dma_start3A_77] : memref<10240x16xf32, #tpu.memory_space<vmem_shared>> -> memref<128x16xf32, #tpu.memory_space<vmem_shared>>
      %dma_start3A_79 = arith.constant 0 : i32
      %dma_start3A_80 = tpu.memref_slice %arg13[%add3A_14, %dma_start3A_79] : memref<10240x16xf32, #tpu.memory_space<vmem_shared>> -> memref<128x16xf32, #tpu.memory_space<vmem_shared>>
      tpu.enqueue_dma source(%arg12 : memref<128x16xf32, #tpu.memory_space<vmem>>) target(%dma_start3A_80 : memref<128x16xf32, #tpu.memory_space<vmem_shared>>) target_semaphore(%run_scoped3A : memref<!tpu.dma_semaphore, #tpu.memory_space<semaphore_mem>>)
      %dma_wait3A_81 = arith.constant 0 : i32
      %dma_wait3A_82 = tpu.memref_slice %arg13[%add3A_14, %dma_wait3A_81] : memref<10240x16xf32, #tpu.memory_space<vmem_shared>> -> memref<128x16xf32, #tpu.memory_space<vmem_shared>>
      %dma_wait3A_83 = arith.constant 0 : i32
      %dma_wait3A_84 = tpu.memref_slice %arg13[%add3A_14, %dma_wait3A_83] : memref<10240x16xf32, #tpu.memory_space<vmem_shared>> -> memref<128x16xf32, #tpu.memory_space<vmem_shared>>
      tpu.wait_dma2 semaphore(%run_scoped3A : memref<!tpu.dma_semaphore, #tpu.memory_space<semaphore_mem>>) src(%arg12 : memref<128x16xf32, #tpu.memory_space<vmem>>) dst(%dma_wait3A_84 : memref<128x16xf32, #tpu.memory_space<vmem_shared>>)
      tpu.yield
    }) : () -> ()
    %mul3A_15 = arith.constant 640 : i32
    %mul3A_16 = arith.muli %arg1, %mul3A_15 : i32
    %add3A_17 = arith.constant 256 : i32
    %add3A_18 = arith.addi %mul3A_16, %add3A_17 : i32
    "tpu.region"() ({
      %run_scoped3A = tpu.sem_alloc : memref<!tpu.dma_semaphore, #tpu.memory_space<semaphore_mem>>
      %dma_start3A_77 = arith.constant 0 : i32
      %dma_start3A_78 = tpu.memref_slice %arg13[%add3A_18, %dma_start3A_77] : memref<10240x16xf32, #tpu.memory_space<vmem_shared>> -> memref<128x16xf32, #tpu.memory_space<vmem_shared>>
      %dma_start3A_79 = arith.constant 0 : i32
      %dma_start3A_80 = tpu.memref_slice %arg13[%add3A_18, %dma_start3A_79] : memref<10240x16xf32, #tpu.memory_space<vmem_shared>> -> memref<128x16xf32, #tpu.memory_space<vmem_shared>>
      tpu.enqueue_dma source(%arg12 : memref<128x16xf32, #tpu.memory_space<vmem>>) target(%dma_start3A_80 : memref<128x16xf32, #tpu.memory_space<vmem_shared>>) target_semaphore(%run_scoped3A : memref<!tpu.dma_semaphore, #tpu.memory_space<semaphore_mem>>)
      %dma_wait3A_81 = arith.constant 0 : i32
      %dma_wait3A_82 = tpu.memref_slice %arg13[%add3A_18, %dma_wait3A_81] : memref<10240x16xf32, #tpu.memory_space<vmem_shared>> -> memref<128x16xf32, #tpu.memory_space<vmem_shared>>
      %dma_wait3A_83 = arith.constant 0 : i32
      %dma_wait3A_84 = tpu.memref_slice %arg13[%add3A_18, %dma_wait3A_83] : memref<10240x16xf32, #tpu.memory_space<vmem_shared>> -> memref<128x16xf32, #tpu.memory_space<vmem_shared>>
      tpu.wait_dma2 semaphore(%run_scoped3A : memref<!tpu.dma_semaphore, #tpu.memory_space<semaphore_mem>>) src(%arg12 : memref<128x16xf32, #tpu.memory_space<vmem>>) dst(%dma_wait3A_84 : memref<128x16xf32, #tpu.memory_space<vmem_shared>>)
      tpu.yield
    }) : () -> ()
    %mul3A_19 = arith.constant 640 : i32
    %mul3A_20 = arith.muli %arg1, %mul3A_19 : i32
    %add3A_21 = arith.constant 384 : i32
    %add3A_22 = arith.addi %mul3A_20, %add3A_21 : i32
    "tpu.region"() ({
      %run_scoped3A = tpu.sem_alloc : memref<!tpu.dma_semaphore, #tpu.memory_space<semaphore_mem>>
      %dma_start3A_77 = arith.constant 0 : i32
      %dma_start3A_78 = tpu.memref_slice %arg13[%add3A_22, %dma_start3A_77] : memref<10240x16xf32, #tpu.memory_space<vmem_shared>> -> memref<128x16xf32, #tpu.memory_space<vmem_shared>>
      %dma_start3A_79 = arith.constant 0 : i32
      %dma_start3A_80 = tpu.memref_slice %arg13[%add3A_22, %dma_start3A_79] : memref<10240x16xf32, #tpu.memory_space<vmem_shared>> -> memref<128x16xf32, #tpu.memory_space<vmem_shared>>
      tpu.enqueue_dma source(%arg12 : memref<128x16xf32, #tpu.memory_space<vmem>>) target(%dma_start3A_80 : memref<128x16xf32, #tpu.memory_space<vmem_shared>>) target_semaphore(%run_scoped3A : memref<!tpu.dma_semaphore, #tpu.memory_space<semaphore_mem>>)
      %dma_wait3A_81 = arith.constant 0 : i32
      %dma_wait3A_82 = tpu.memref_slice %arg13[%add3A_22, %dma_wait3A_81] : memref<10240x16xf32, #tpu.memory_space<vmem_shared>> -> memref<128x16xf32, #tpu.memory_space<vmem_shared>>
      %dma_wait3A_83 = arith.constant 0 : i32
      %dma_wait3A_84 = tpu.memref_slice %arg13[%add3A_22, %dma_wait3A_83] : memref<10240x16xf32, #tpu.memory_space<vmem_shared>> -> memref<128x16xf32, #tpu.memory_space<vmem_shared>>
      tpu.wait_dma2 semaphore(%run_scoped3A : memref<!tpu.dma_semaphore, #tpu.memory_space<semaphore_mem>>) src(%arg12 : memref<128x16xf32, #tpu.memory_space<vmem>>) dst(%dma_wait3A_84 : memref<128x16xf32, #tpu.memory_space<vmem_shared>>)
      tpu.yield
    }) : () -> ()
    %mul3A_23 = arith.constant 640 : i32
    %mul3A_24 = arith.muli %arg1, %mul3A_23 : i32
    %add3A_25 = arith.constant 512 : i32
    %add3A_26 = arith.addi %mul3A_24, %add3A_25 : i32
    "tpu.region"() ({
      %run_scoped3A = tpu.sem_alloc : memref<!tpu.dma_semaphore, #tpu.memory_space<semaphore_mem>>
      %dma_start3A_77 = arith.constant 0 : i32
      %dma_start3A_78 = tpu.memref_slice %arg13[%add3A_26, %dma_start3A_77] : memref<10240x16xf32, #tpu.memory_space<vmem_shared>> -> memref<128x16xf32, #tpu.memory_space<vmem_shared>>
      %dma_start3A_79 = arith.constant 0 : i32
      %dma_start3A_80 = tpu.memref_slice %arg13[%add3A_26, %dma_start3A_79] : memref<10240x16xf32, #tpu.memory_space<vmem_shared>> -> memref<128x16xf32, #tpu.memory_space<vmem_shared>>
      tpu.enqueue_dma source(%arg12 : memref<128x16xf32, #tpu.memory_space<vmem>>) target(%dma_start3A_80 : memref<128x16xf32, #tpu.memory_space<vmem_shared>>) target_semaphore(%run_scoped3A : memref<!tpu.dma_semaphore, #tpu.memory_space<semaphore_mem>>)
      %dma_wait3A_81 = arith.constant 0 : i32
      %dma_wait3A_82 = tpu.memref_slice %arg13[%add3A_26, %dma_wait3A_81] : memref<10240x16xf32, #tpu.memory_space<vmem_shared>> -> memref<128x16xf32, #tpu.memory_space<vmem_shared>>
      %dma_wait3A_83 = arith.constant 0 : i32
      %dma_wait3A_84 = tpu.memref_slice %arg13[%add3A_26, %dma_wait3A_83] : memref<10240x16xf32, #tpu.memory_space<vmem_shared>> -> memref<128x16xf32, #tpu.memory_space<vmem_shared>>
      tpu.wait_dma2 semaphore(%run_scoped3A : memref<!tpu.dma_semaphore, #tpu.memory_space<semaphore_mem>>) src(%arg12 : memref<128x16xf32, #tpu.memory_space<vmem>>) dst(%dma_wait3A_84 : memref<128x16xf32, #tpu.memory_space<vmem_shared>>)
      tpu.yield
    }) : () -> ()
    %barrier3A = arith.constant 0 : index
    tpu.barrier barrier_id(%barrier3A)
    %dma_start3A = arith.constant 0 : i32
    %dma_start3A_27 = arith.constant 0 : i32
    %dma_start3A_28 = tpu.memref_slice %arg6[%dma_start3A, %dma_start3A_27] : memref<80x125xi32, #tpu.memory_space<vmem>> -> memref<1x125xi32, #tpu.memory_space<vmem>>
    %dma_start3A_29 = tpu.memref_squeeze %dma_start3A_28 : memref<1x125xi32, #tpu.memory_space<vmem>> -> memref<125xi32, #tpu.memory_space<vmem>>
    %dma_start3A_30 = arith.constant 0 : i32
    %dma_start3A_31 = arith.constant 0 : i32
    %dma_start3A_32 = tpu.memref_slice %arg2[%dma_start3A_30, %dma_start3A_31] : memref<10000x16xf32, #tpu.memory_space<hbm>> -> memref<10000x16xf32, #tpu.memory_space<hbm>>
    tpu.enqueue_indirect_dma source(%dma_start3A_32 : memref<10000x16xf32, #tpu.memory_space<hbm>>) target(%arg8 : memref<125x16xf32, #tpu.memory_space<vmem>>) offsets(%dma_start3A_29 : memref<125xi32, #tpu.memory_space<vmem>>) semaphore(%arg14 : memref<!tpu.dma_semaphore, #tpu.memory_space<semaphore_mem>>)
    %dma_start3A_33 = arith.constant 1 : i32
    %dma_start3A_34 = arith.constant 0 : i32
    %dma_start3A_35 = tpu.memref_slice %arg6[%dma_start3A_33, %dma_start3A_34] : memref<80x125xi32, #tpu.memory_space<vmem>> -> memref<1x125xi32, #tpu.memory_space<vmem>>
    %dma_start3A_36 = tpu.memref_squeeze %dma_start3A_35 : memref<1x125xi32, #tpu.memory_space<vmem>> -> memref<125xi32, #tpu.memory_space<vmem>>
    %dma_start3A_37 = arith.constant 0 : i32
    %dma_start3A_38 = arith.constant 0 : i32
    %dma_start3A_39 = tpu.memref_slice %arg2[%dma_start3A_37, %dma_start3A_38] : memref<10000x16xf32, #tpu.memory_space<hbm>> -> memref<10000x16xf32, #tpu.memory_space<hbm>>
    tpu.enqueue_indirect_dma source(%dma_start3A_39 : memref<10000x16xf32, #tpu.memory_space<hbm>>) target(%arg9 : memref<125x16xf32, #tpu.memory_space<vmem>>) offsets(%dma_start3A_36 : memref<125xi32, #tpu.memory_space<vmem>>) semaphore(%arg15 : memref<!tpu.dma_semaphore, #tpu.memory_space<semaphore_mem>>)
    %scan3A_40 = arith.constant 0 : i32
    %scan3A_41 = arith.constant 0 : i32
    %scan3A_42 = arith.constant 20 : i32
    %scan3A_43 = arith.addi %scan3A_41, %scan3A_42 : i32
    %scan3A_44 = arith.constant 1 : i32
    %scan3A_45 = scf.for %scan3A_77 = %scan3A_41 to %scan3A_43 step %scan3A_44 iter_args(%scan3A_78 = %scan3A_40) -> (i32)  : i32 {
      %mul3A_79 = arith.constant 4 : i32
      %mul3A_80 = arith.muli %scan3A_77, %mul3A_79 : i32
      %add3A_81 = arith.constant 0 : i32
      %add3A_82 = arith.addi %mul3A_80, %add3A_81 : i32
      %dma_wait3A_83 = arith.constant 0 : i32
      %dma_wait3A_84 = tpu.memref_slice %arg6[%add3A_82, %dma_wait3A_83] : memref<80x125xi32, #tpu.memory_space<vmem>> -> memref<1x125xi32, #tpu.memory_space<vmem>>
      %dma_wait3A_85 = tpu.memref_squeeze %dma_wait3A_84 : memref<1x125xi32, #tpu.memory_space<vmem>> -> memref<125xi32, #tpu.memory_space<vmem>>
      %dma_wait3A_86 = arith.constant 0 : i32
      %dma_wait3A_87 = arith.constant 0 : i32
      %dma_wait3A_88 = tpu.memref_slice %arg2[%dma_wait3A_86, %dma_wait3A_87] : memref<10000x16xf32, #tpu.memory_space<hbm>> -> memref<10000x16xf32, #tpu.memory_space<hbm>>
      tpu.wait_indirect_dma semaphore(%arg14 : memref<!tpu.dma_semaphore, #tpu.memory_space<semaphore_mem>>) src(%dma_wait3A_88 : memref<10000x16xf32, #tpu.memory_space<hbm>>) dst(%arg8 : memref<125x16xf32, #tpu.memory_space<vmem>>)
      %dma_start3A_89 = arith.constant 0 : i32
      %dma_start3A_90 = tpu.memref_slice %arg7[%add3A_82, %dma_start3A_89] : memref<80x125xi32, #tpu.memory_space<vmem>> -> memref<1x125xi32, #tpu.memory_space<vmem>>
      %dma_start3A_91 = tpu.memref_squeeze %dma_start3A_90 : memref<1x125xi32, #tpu.memory_space<vmem>> -> memref<125xi32, #tpu.memory_space<vmem>>
      %dma_start3A_92 = arith.constant 0 : i32
      %dma_start3A_93 = arith.constant 0 : i32
      %dma_start3A_94 = tpu.memref_slice %arg13[%dma_start3A_92, %dma_start3A_93] : memref<10240x16xf32, #tpu.memory_space<vmem_shared>> -> memref<10240x16xf32, #tpu.memory_space<vmem_shared>>
      tpu.enqueue_indirect_dma source(%arg8 : memref<125x16xf32, #tpu.memory_space<vmem>>) target(%dma_start3A_94 : memref<10240x16xf32, #tpu.memory_space<vmem_shared>>) offsets(%dma_start3A_91 : memref<125xi32, #tpu.memory_space<vmem>>) semaphore(%arg18 : memref<!tpu.dma_semaphore, #tpu.memory_space<semaphore_mem>>) {add = true}
      %add3A_95 = arith.constant 2 : i32
      %add3A_96 = arith.addi %add3A_82, %add3A_95 : i32
      %lt3A = arith.constant 80 : i32
      %lt3A_97 = arith.cmpi slt, %add3A_96, %lt3A : i32
      %convert_element_type3A = arith.extui %lt3A_97 : i1 to i32
      %cond3A = arith.constant 0 : i32
      %cond3A_98 = arith.cmpi ne, %convert_element_type3A, %cond3A : i32
      scf.if %cond3A_98 {
        %ge3A = arith.constant 2 : i32
        %ge3A_169 = arith.cmpi sge, %add3A_82, %ge3A : i32
        %convert_element_type3A_170 = arith.extui %ge3A_169 : i1 to i32
        %cond3A_171 = arith.constant 0 : i32
        %cond3A_172 = arith.cmpi ne, %convert_element_type3A_170, %cond3A_171 : i32
        scf.if %cond3A_172 {
          %sub3A = arith.constant 2 : i32
          %sub3A_181 = arith.subi %add3A_82, %sub3A : i32
          %dma_wait3A_182 = arith.constant 0 : i32
          %dma_wait3A_183 = tpu.memref_slice %arg7[%sub3A_181, %dma_wait3A_182] : memref<80x125xi32, #tpu.memory_space<vmem>> -> memref<1x125xi32, #tpu.memory_space<vmem>>
          %dma_wait3A_184 = tpu.memref_squeeze %dma_wait3A_183 : memref<1x125xi32, #tpu.memory_space<vmem>> -> memref<125xi32, #tpu.memory_space<vmem>>
          %dma_wait3A_185 = arith.constant 0 : i32
          %dma_wait3A_186 = arith.constant 0 : i32
          %dma_wait3A_187 = tpu.memref_slice %arg13[%dma_wait3A_185, %dma_wait3A_186] : memref<10240x16xf32, #tpu.memory_space<vmem_shared>> -> memref<10240x16xf32, #tpu.memory_space<vmem_shared>>
          tpu.wait_indirect_dma semaphore(%arg20 : memref<!tpu.dma_semaphore, #tpu.memory_space<semaphore_mem>>) src(%arg10 : memref<125x16xf32, #tpu.memory_space<vmem>>) dst(%dma_wait3A_187 : memref<10240x16xf32, #tpu.memory_space<vmem_shared>>)
        } else {
        }
        %add3A_173 = arith.constant 2 : i32
        %add3A_174 = arith.addi %add3A_82, %add3A_173 : i32
        %dma_start3A_175 = arith.constant 0 : i32
        %dma_start3A_176 = tpu.memref_slice %arg6[%add3A_174, %dma_start3A_175] : memref<80x125xi32, #tpu.memory_space<vmem>> -> memref<1x125xi32, #tpu.memory_space<vmem>>
        %dma_start3A_177 = tpu.memref_squeeze %dma_start3A_176 : memref<1x125xi32, #tpu.memory_space<vmem>> -> memref<125xi32, #tpu.memory_space<vmem>>
        %dma_start3A_178 = arith.constant 0 : i32
        %dma_start3A_179 = arith.constant 0 : i32
        %dma_start3A_180 = tpu.memref_slice %arg2[%dma_start3A_178, %dma_start3A_179] : memref<10000x16xf32, #tpu.memory_space<hbm>> -> memref<10000x16xf32, #tpu.memory_space<hbm>>
        tpu.enqueue_indirect_dma source(%dma_start3A_180 : memref<10000x16xf32, #tpu.memory_space<hbm>>) target(%arg10 : memref<125x16xf32, #tpu.memory_space<vmem>>) offsets(%dma_start3A_177 : memref<125xi32, #tpu.memory_space<vmem>>) semaphore(%arg16 : memref<!tpu.dma_semaphore, #tpu.memory_space<semaphore_mem>>)
      } else {
      }
      %mul3A_99 = arith.constant 4 : i32
      %mul3A_100 = arith.muli %scan3A_77, %mul3A_99 : i32
      %add3A_101 = arith.constant 1 : i32
      %add3A_102 = arith.addi %mul3A_100, %add3A_101 : i32
      %dma_wait3A_103 = arith.constant 0 : i32
      %dma_wait3A_104 = tpu.memref_slice %arg6[%add3A_102, %dma_wait3A_103] : memref<80x125xi32, #tpu.memory_space<vmem>> -> memref<1x125xi32, #tpu.memory_space<vmem>>
      %dma_wait3A_105 = tpu.memref_squeeze %dma_wait3A_104 : memref<1x125xi32, #tpu.memory_space<vmem>> -> memref<125xi32, #tpu.memory_space<vmem>>
      %dma_wait3A_106 = arith.constant 0 : i32
      %dma_wait3A_107 = arith.constant 0 : i32
      %dma_wait3A_108 = tpu.memref_slice %arg2[%dma_wait3A_106, %dma_wait3A_107] : memref<10000x16xf32, #tpu.memory_space<hbm>> -> memref<10000x16xf32, #tpu.memory_space<hbm>>
      tpu.wait_indirect_dma semaphore(%arg15 : memref<!tpu.dma_semaphore, #tpu.memory_space<semaphore_mem>>) src(%dma_wait3A_108 : memref<10000x16xf32, #tpu.memory_space<hbm>>) dst(%arg9 : memref<125x16xf32, #tpu.memory_space<vmem>>)
      %dma_start3A_109 = arith.constant 0 : i32
      %dma_start3A_110 = tpu.memref_slice %arg7[%add3A_102, %dma_start3A_109] : memref<80x125xi32, #tpu.memory_space<vmem>> -> memref<1x125xi32, #tpu.memory_space<vmem>>
      %dma_start3A_111 = tpu.memref_squeeze %dma_start3A_110 : memref<1x125xi32, #tpu.memory_space<vmem>> -> memref<125xi32, #tpu.memory_space<vmem>>
      %dma_start3A_112 = arith.constant 0 : i32
      %dma_start3A_113 = arith.constant 0 : i32
      %dma_start3A_114 = tpu.memref_slice %arg13[%dma_start3A_112, %dma_start3A_113] : memref<10240x16xf32, #tpu.memory_space<vmem_shared>> -> memref<10240x16xf32, #tpu.memory_space<vmem_shared>>
      tpu.enqueue_indirect_dma source(%arg9 : memref<125x16xf32, #tpu.memory_space<vmem>>) target(%dma_start3A_114 : memref<10240x16xf32, #tpu.memory_space<vmem_shared>>) offsets(%dma_start3A_111 : memref<125xi32, #tpu.memory_space<vmem>>) semaphore(%arg19 : memref<!tpu.dma_semaphore, #tpu.memory_space<semaphore_mem>>) {add = true}
      %add3A_115 = arith.constant 2 : i32
      %add3A_116 = arith.addi %add3A_102, %add3A_115 : i32
      %lt3A_117 = arith.constant 80 : i32
      %lt3A_118 = arith.cmpi slt, %add3A_116, %lt3A_117 : i32
      %convert_element_type3A_119 = arith.extui %lt3A_118 : i1 to i32
      %cond3A_120 = arith.constant 0 : i32
      %cond3A_121 = arith.cmpi ne, %convert_element_type3A_119, %cond3A_120 : i32
      scf.if %cond3A_121 {
        %ge3A = arith.constant 2 : i32
        %ge3A_169 = arith.cmpi sge, %add3A_102, %ge3A : i32
        %convert_element_type3A_170 = arith.extui %ge3A_169 : i1 to i32
        %cond3A_171 = arith.constant 0 : i32
        %cond3A_172 = arith.cmpi ne, %convert_element_type3A_170, %cond3A_171 : i32
        scf.if %cond3A_172 {
          %sub3A = arith.constant 2 : i32
          %sub3A_181 = arith.subi %add3A_102, %sub3A : i32
          %dma_wait3A_182 = arith.constant 0 : i32
          %dma_wait3A_183 = tpu.memref_slice %arg7[%sub3A_181, %dma_wait3A_182] : memref<80x125xi32, #tpu.memory_space<vmem>> -> memref<1x125xi32, #tpu.memory_space<vmem>>
          %dma_wait3A_184 = tpu.memref_squeeze %dma_wait3A_183 : memref<1x125xi32, #tpu.memory_space<vmem>> -> memref<125xi32, #tpu.memory_space<vmem>>
          %dma_wait3A_185 = arith.constant 0 : i32
          %dma_wait3A_186 = arith.constant 0 : i32
          %dma_wait3A_187 = tpu.memref_slice %arg13[%dma_wait3A_185, %dma_wait3A_186] : memref<10240x16xf32, #tpu.memory_space<vmem_shared>> -> memref<10240x16xf32, #tpu.memory_space<vmem_shared>>
          tpu.wait_indirect_dma semaphore(%arg21 : memref<!tpu.dma_semaphore, #tpu.memory_space<semaphore_mem>>) src(%arg11 : memref<125x16xf32, #tpu.memory_space<vmem>>) dst(%dma_wait3A_187 : memref<10240x16xf32, #tpu.memory_space<vmem_shared>>)
        } else {
        }
        %add3A_173 = arith.constant 2 : i32
        %add3A_174 = arith.addi %add3A_102, %add3A_173 : i32
        %dma_start3A_175 = arith.constant 0 : i32
        %dma_start3A_176 = tpu.memref_slice %arg6[%add3A_174, %dma_start3A_175] : memref<80x125xi32, #tpu.memory_space<vmem>> -> memref<1x125xi32, #tpu.memory_space<vmem>>
        %dma_start3A_177 = tpu.memref_squeeze %dma_start3A_176 : memref<1x125xi32, #tpu.memory_space<vmem>> -> memref<125xi32, #tpu.memory_space<vmem>>
        %dma_start3A_178 = arith.constant 0 : i32
        %dma_start3A_179 = arith.constant 0 : i32
        %dma_start3A_180 = tpu.memref_slice %arg2[%dma_start3A_178, %dma_start3A_179] : memref<10000x16xf32, #tpu.memory_space<hbm>> -> memref<10000x16xf32, #tpu.memory_space<hbm>>
        tpu.enqueue_indirect_dma source(%dma_start3A_180 : memref<10000x16xf32, #tpu.memory_space<hbm>>) target(%arg11 : memref<125x16xf32, #tpu.memory_space<vmem>>) offsets(%dma_start3A_177 : memref<125xi32, #tpu.memory_space<vmem>>) semaphore(%arg17 : memref<!tpu.dma_semaphore, #tpu.memory_space<semaphore_mem>>)
      } else {
      }
      %mul3A_122 = arith.constant 4 : i32
      %mul3A_123 = arith.muli %scan3A_77, %mul3A_122 : i32
      %add3A_124 = arith.constant 2 : i32
      %add3A_125 = arith.addi %mul3A_123, %add3A_124 : i32
      %dma_wait3A_126 = arith.constant 0 : i32
      %dma_wait3A_127 = tpu.memref_slice %arg6[%add3A_125, %dma_wait3A_126] : memref<80x125xi32, #tpu.memory_space<vmem>> -> memref<1x125xi32, #tpu.memory_space<vmem>>
      %dma_wait3A_128 = tpu.memref_squeeze %dma_wait3A_127 : memref<1x125xi32, #tpu.memory_space<vmem>> -> memref<125xi32, #tpu.memory_space<vmem>>
      %dma_wait3A_129 = arith.constant 0 : i32
      %dma_wait3A_130 = arith.constant 0 : i32
      %dma_wait3A_131 = tpu.memref_slice %arg2[%dma_wait3A_129, %dma_wait3A_130] : memref<10000x16xf32, #tpu.memory_space<hbm>> -> memref<10000x16xf32, #tpu.memory_space<hbm>>
      tpu.wait_indirect_dma semaphore(%arg16 : memref<!tpu.dma_semaphore, #tpu.memory_space<semaphore_mem>>) src(%dma_wait3A_131 : memref<10000x16xf32, #tpu.memory_space<hbm>>) dst(%arg10 : memref<125x16xf32, #tpu.memory_space<vmem>>)
      %dma_start3A_132 = arith.constant 0 : i32
      %dma_start3A_133 = tpu.memref_slice %arg7[%add3A_125, %dma_start3A_132] : memref<80x125xi32, #tpu.memory_space<vmem>> -> memref<1x125xi32, #tpu.memory_space<vmem>>
      %dma_start3A_134 = tpu.memref_squeeze %dma_start3A_133 : memref<1x125xi32, #tpu.memory_space<vmem>> -> memref<125xi32, #tpu.memory_space<vmem>>
      %dma_start3A_135 = arith.constant 0 : i32
      %dma_start3A_136 = arith.constant 0 : i32
      %dma_start3A_137 = tpu.memref_slice %arg13[%dma_start3A_135, %dma_start3A_136] : memref<10240x16xf32, #tpu.memory_space<vmem_shared>> -> memref<10240x16xf32, #tpu.memory_space<vmem_shared>>
      tpu.enqueue_indirect_dma source(%arg10 : memref<125x16xf32, #tpu.memory_space<vmem>>) target(%dma_start3A_137 : memref<10240x16xf32, #tpu.memory_space<vmem_shared>>) offsets(%dma_start3A_134 : memref<125xi32, #tpu.memory_space<vmem>>) semaphore(%arg20 : memref<!tpu.dma_semaphore, #tpu.memory_space<semaphore_mem>>) {add = true}
      %add3A_138 = arith.constant 2 : i32
      %add3A_139 = arith.addi %add3A_125, %add3A_138 : i32
      %lt3A_140 = arith.constant 80 : i32
      %lt3A_141 = arith.cmpi slt, %add3A_139, %lt3A_140 : i32
      %convert_element_type3A_142 = arith.extui %lt3A_141 : i1 to i32
      %cond3A_143 = arith.constant 0 : i32
      %cond3A_144 = arith.cmpi ne, %convert_element_type3A_142, %cond3A_143 : i32
      scf.if %cond3A_144 {
        %ge3A = arith.constant 2 : i32
        %ge3A_169 = arith.cmpi sge, %add3A_125, %ge3A : i32
        %convert_element_type3A_170 = arith.extui %ge3A_169 : i1 to i32
        %cond3A_171 = arith.constant 0 : i32
        %cond3A_172 = arith.cmpi ne, %convert_element_type3A_170, %cond3A_171 : i32
        scf.if %cond3A_172 {
          %sub3A = arith.constant 2 : i32
          %sub3A_181 = arith.subi %add3A_125, %sub3A : i32
          %dma_wait3A_182 = arith.constant 0 : i32
          %dma_wait3A_183 = tpu.memref_slice %arg7[%sub3A_181, %dma_wait3A_182] : memref<80x125xi32, #tpu.memory_space<vmem>> -> memref<1x125xi32, #tpu.memory_space<vmem>>
          %dma_wait3A_184 = tpu.memref_squeeze %dma_wait3A_183 : memref<1x125xi32, #tpu.memory_space<vmem>> -> memref<125xi32, #tpu.memory_space<vmem>>
          %dma_wait3A_185 = arith.constant 0 : i32
          %dma_wait3A_186 = arith.constant 0 : i32
          %dma_wait3A_187 = tpu.memref_slice %arg13[%dma_wait3A_185, %dma_wait3A_186] : memref<10240x16xf32, #tpu.memory_space<vmem_shared>> -> memref<10240x16xf32, #tpu.memory_space<vmem_shared>>
          tpu.wait_indirect_dma semaphore(%arg18 : memref<!tpu.dma_semaphore, #tpu.memory_space<semaphore_mem>>) src(%arg8 : memref<125x16xf32, #tpu.memory_space<vmem>>) dst(%dma_wait3A_187 : memref<10240x16xf32, #tpu.memory_space<vmem_shared>>)
        } else {
        }
        %add3A_173 = arith.constant 2 : i32
        %add3A_174 = arith.addi %add3A_125, %add3A_173 : i32
        %dma_start3A_175 = arith.constant 0 : i32
        %dma_start3A_176 = tpu.memref_slice %arg6[%add3A_174, %dma_start3A_175] : memref<80x125xi32, #tpu.memory_space<vmem>> -> memref<1x125xi32, #tpu.memory_space<vmem>>
        %dma_start3A_177 = tpu.memref_squeeze %dma_start3A_176 : memref<1x125xi32, #tpu.memory_space<vmem>> -> memref<125xi32, #tpu.memory_space<vmem>>
        %dma_start3A_178 = arith.constant 0 : i32
        %dma_start3A_179 = arith.constant 0 : i32
        %dma_start3A_180 = tpu.memref_slice %arg2[%dma_start3A_178, %dma_start3A_179] : memref<10000x16xf32, #tpu.memory_space<hbm>> -> memref<10000x16xf32, #tpu.memory_space<hbm>>
        tpu.enqueue_indirect_dma source(%dma_start3A_180 : memref<10000x16xf32, #tpu.memory_space<hbm>>) target(%arg8 : memref<125x16xf32, #tpu.memory_space<vmem>>) offsets(%dma_start3A_177 : memref<125xi32, #tpu.memory_space<vmem>>) semaphore(%arg14 : memref<!tpu.dma_semaphore, #tpu.memory_space<semaphore_mem>>)
      } else {
      }
      %mul3A_145 = arith.constant 4 : i32
      %mul3A_146 = arith.muli %scan3A_77, %mul3A_145 : i32
      %add3A_147 = arith.constant 3 : i32
      %add3A_148 = arith.addi %mul3A_146, %add3A_147 : i32
      %dma_wait3A_149 = arith.constant 0 : i32
      %dma_wait3A_150 = tpu.memref_slice %arg6[%add3A_148, %dma_wait3A_149] : memref<80x125xi32, #tpu.memory_space<vmem>> -> memref<1x125xi32, #tpu.memory_space<vmem>>
      %dma_wait3A_151 = tpu.memref_squeeze %dma_wait3A_150 : memref<1x125xi32, #tpu.memory_space<vmem>> -> memref<125xi32, #tpu.memory_space<vmem>>
      %dma_wait3A_152 = arith.constant 0 : i32
      %dma_wait3A_153 = arith.constant 0 : i32
      %dma_wait3A_154 = tpu.memref_slice %arg2[%dma_wait3A_152, %dma_wait3A_153] : memref<10000x16xf32, #tpu.memory_space<hbm>> -> memref<10000x16xf32, #tpu.memory_space<hbm>>
      tpu.wait_indirect_dma semaphore(%arg17 : memref<!tpu.dma_semaphore, #tpu.memory_space<semaphore_mem>>) src(%dma_wait3A_154 : memref<10000x16xf32, #tpu.memory_space<hbm>>) dst(%arg11 : memref<125x16xf32, #tpu.memory_space<vmem>>)
      %dma_start3A_155 = arith.constant 0 : i32
      %dma_start3A_156 = tpu.memref_slice %arg7[%add3A_148, %dma_start3A_155] : memref<80x125xi32, #tpu.memory_space<vmem>> -> memref<1x125xi32, #tpu.memory_space<vmem>>
      %dma_start3A_157 = tpu.memref_squeeze %dma_start3A_156 : memref<1x125xi32, #tpu.memory_space<vmem>> -> memref<125xi32, #tpu.memory_space<vmem>>
      %dma_start3A_158 = arith.constant 0 : i32
      %dma_start3A_159 = arith.constant 0 : i32
      %dma_start3A_160 = tpu.memref_slice %arg13[%dma_start3A_158, %dma_start3A_159] : memref<10240x16xf32, #tpu.memory_space<vmem_shared>> -> memref<10240x16xf32, #tpu.memory_space<vmem_shared>>
      tpu.enqueue_indirect_dma source(%arg11 : memref<125x16xf32, #tpu.memory_space<vmem>>) target(%dma_start3A_160 : memref<10240x16xf32, #tpu.memory_space<vmem_shared>>) offsets(%dma_start3A_157 : memref<125xi32, #tpu.memory_space<vmem>>) semaphore(%arg21 : memref<!tpu.dma_semaphore, #tpu.memory_space<semaphore_mem>>) {add = true}
      %add3A_161 = arith.constant 2 : i32
      %add3A_162 = arith.addi %add3A_148, %add3A_161 : i32
      %lt3A_163 = arith.constant 80 : i32
      %lt3A_164 = arith.cmpi slt, %add3A_162, %lt3A_163 : i32
      %convert_element_type3A_165 = arith.extui %lt3A_164 : i1 to i32
      %cond3A_166 = arith.constant 0 : i32
      %cond3A_167 = arith.cmpi ne, %convert_element_type3A_165, %cond3A_166 : i32
      scf.if %cond3A_167 {
        %ge3A = arith.constant 2 : i32
        %ge3A_169 = arith.cmpi sge, %add3A_148, %ge3A : i32
        %convert_element_type3A_170 = arith.extui %ge3A_169 : i1 to i32
        %cond3A_171 = arith.constant 0 : i32
        %cond3A_172 = arith.cmpi ne, %convert_element_type3A_170, %cond3A_171 : i32
        scf.if %cond3A_172 {
          %sub3A = arith.constant 2 : i32
          %sub3A_181 = arith.subi %add3A_148, %sub3A : i32
          %dma_wait3A_182 = arith.constant 0 : i32
          %dma_wait3A_183 = tpu.memref_slice %arg7[%sub3A_181, %dma_wait3A_182] : memref<80x125xi32, #tpu.memory_space<vmem>> -> memref<1x125xi32, #tpu.memory_space<vmem>>
          %dma_wait3A_184 = tpu.memref_squeeze %dma_wait3A_183 : memref<1x125xi32, #tpu.memory_space<vmem>> -> memref<125xi32, #tpu.memory_space<vmem>>
          %dma_wait3A_185 = arith.constant 0 : i32
          %dma_wait3A_186 = arith.constant 0 : i32
          %dma_wait3A_187 = tpu.memref_slice %arg13[%dma_wait3A_185, %dma_wait3A_186] : memref<10240x16xf32, #tpu.memory_space<vmem_shared>> -> memref<10240x16xf32, #tpu.memory_space<vmem_shared>>
          tpu.wait_indirect_dma semaphore(%arg19 : memref<!tpu.dma_semaphore, #tpu.memory_space<semaphore_mem>>) src(%arg9 : memref<125x16xf32, #tpu.memory_space<vmem>>) dst(%dma_wait3A_187 : memref<10240x16xf32, #tpu.memory_space<vmem_shared>>)
        } else {
        }
        %add3A_173 = arith.constant 2 : i32
        %add3A_174 = arith.addi %add3A_148, %add3A_173 : i32
        %dma_start3A_175 = arith.constant 0 : i32
        %dma_start3A_176 = tpu.memref_slice %arg6[%add3A_174, %dma_start3A_175] : memref<80x125xi32, #tpu.memory_space<vmem>> -> memref<1x125xi32, #tpu.memory_space<vmem>>
        %dma_start3A_177 = tpu.memref_squeeze %dma_start3A_176 : memref<1x125xi32, #tpu.memory_space<vmem>> -> memref<125xi32, #tpu.memory_space<vmem>>
        %dma_start3A_178 = arith.constant 0 : i32
        %dma_start3A_179 = arith.constant 0 : i32
        %dma_start3A_180 = tpu.memref_slice %arg2[%dma_start3A_178, %dma_start3A_179] : memref<10000x16xf32, #tpu.memory_space<hbm>> -> memref<10000x16xf32, #tpu.memory_space<hbm>>
        tpu.enqueue_indirect_dma source(%dma_start3A_180 : memref<10000x16xf32, #tpu.memory_space<hbm>>) target(%arg9 : memref<125x16xf32, #tpu.memory_space<vmem>>) offsets(%dma_start3A_177 : memref<125xi32, #tpu.memory_space<vmem>>) semaphore(%arg15 : memref<!tpu.dma_semaphore, #tpu.memory_space<semaphore_mem>>)
      } else {
      }
      %scan3A_168 = arith.constant 0 : i32
      scf.yield %scan3A_168 : i32
    }
    %scan3A_46 = arith.constant 20 : i32
    %dma_wait3A = arith.constant 76 : i32
    %dma_wait3A_47 = arith.constant 0 : i32
    %dma_wait3A_48 = tpu.memref_slice %arg7[%dma_wait3A, %dma_wait3A_47] : memref<80x125xi32, #tpu.memory_space<vmem>> -> memref<1x125xi32, #tpu.memory_space<vmem>>
    %dma_wait3A_49 = tpu.memref_squeeze %dma_wait3A_48 : memref<1x125xi32, #tpu.memory_space<vmem>> -> memref<125xi32, #tpu.memory_space<vmem>>
    %dma_wait3A_50 = arith.constant 0 : i32
    %dma_wait3A_51 = arith.constant 0 : i32
    %dma_wait3A_52 = tpu.memref_slice %arg13[%dma_wait3A_50, %dma_wait3A_51] : memref<10240x16xf32, #tpu.memory_space<vmem_shared>> -> memref<10240x16xf32, #tpu.memory_space<vmem_shared>>
    tpu.wait_indirect_dma semaphore(%arg18 : memref<!tpu.dma_semaphore, #tpu.memory_space<semaphore_mem>>) src(%arg8 : memref<125x16xf32, #tpu.memory_space<vmem>>) dst(%dma_wait3A_52 : memref<10240x16xf32, #tpu.memory_space<vmem_shared>>)
    %dma_wait3A_53 = arith.constant 77 : i32
    %dma_wait3A_54 = arith.constant 0 : i32
    %dma_wait3A_55 = tpu.memref_slice %arg7[%dma_wait3A_53, %dma_wait3A_54] : memref<80x125xi32, #tpu.memory_space<vmem>> -> memref<1x125xi32, #tpu.memory_space<vmem>>
    %dma_wait3A_56 = tpu.memref_squeeze %dma_wait3A_55 : memref<1x125xi32, #tpu.memory_space<vmem>> -> memref<125xi32, #tpu.memory_space<vmem>>
    %dma_wait3A_57 = arith.constant 0 : i32
    %dma_wait3A_58 = arith.constant 0 : i32
    %dma_wait3A_59 = tpu.memref_slice %arg13[%dma_wait3A_57, %dma_wait3A_58] : memref<10240x16xf32, #tpu.memory_space<vmem_shared>> -> memref<10240x16xf32, #tpu.memory_space<vmem_shared>>
    tpu.wait_indirect_dma semaphore(%arg19 : memref<!tpu.dma_semaphore, #tpu.memory_space<semaphore_mem>>) src(%arg9 : memref<125x16xf32, #tpu.memory_space<vmem>>) dst(%dma_wait3A_59 : memref<10240x16xf32, #tpu.memory_space<vmem_shared>>)
    %dma_wait3A_60 = arith.constant 78 : i32
    %dma_wait3A_61 = arith.constant 0 : i32
    %dma_wait3A_62 = tpu.memref_slice %arg7[%dma_wait3A_60, %dma_wait3A_61] : memref<80x125xi32, #tpu.memory_space<vmem>> -> memref<1x125xi32, #tpu.memory_space<vmem>>
    %dma_wait3A_63 = tpu.memref_squeeze %dma_wait3A_62 : memref<1x125xi32, #tpu.memory_space<vmem>> -> memref<125xi32, #tpu.memory_space<vmem>>
    %dma_wait3A_64 = arith.constant 0 : i32
    %dma_wait3A_65 = arith.constant 0 : i32
    %dma_wait3A_66 = tpu.memref_slice %arg13[%dma_wait3A_64, %dma_wait3A_65] : memref<10240x16xf32, #tpu.memory_space<vmem_shared>> -> memref<10240x16xf32, #tpu.memory_space<vmem_shared>>
    tpu.wait_indirect_dma semaphore(%arg20 : memref<!tpu.dma_semaphore, #tpu.memory_space<semaphore_mem>>) src(%arg10 : memref<125x16xf32, #tpu.memory_space<vmem>>) dst(%dma_wait3A_66 : memref<10240x16xf32, #tpu.memory_space<vmem_shared>>)
    %dma_wait3A_67 = arith.constant 79 : i32
    %dma_wait3A_68 = arith.constant 0 : i32
    %dma_wait3A_69 = tpu.memref_slice %arg7[%dma_wait3A_67, %dma_wait3A_68] : memref<80x125xi32, #tpu.memory_space<vmem>> -> memref<1x125xi32, #tpu.memory_space<vmem>>
    %dma_wait3A_70 = tpu.memref_squeeze %dma_wait3A_69 : memref<1x125xi32, #tpu.memory_space<vmem>> -> memref<125xi32, #tpu.memory_space<vmem>>
    %dma_wait3A_71 = arith.constant 0 : i32
    %dma_wait3A_72 = arith.constant 0 : i32
    %dma_wait3A_73 = tpu.memref_slice %arg13[%dma_wait3A_71, %dma_wait3A_72] : memref<10240x16xf32, #tpu.memory_space<vmem_shared>> -> memref<10240x16xf32, #tpu.memory_space<vmem_shared>>
    tpu.wait_indirect_dma semaphore(%arg21 : memref<!tpu.dma_semaphore, #tpu.memory_space<semaphore_mem>>) src(%arg11 : memref<125x16xf32, #tpu.memory_space<vmem>>) dst(%dma_wait3A_73 : memref<10240x16xf32, #tpu.memory_space<vmem_shared>>)
    %barrier3A_74 = arith.constant 0 : index
    tpu.barrier barrier_id(%barrier3A_74)
    %mul3A_75 = arith.constant 640 : i32
    %mul3A_76 = arith.muli %arg1, %mul3A_75 : i32
    "tpu.region"() ({
      %run_scoped3A = tpu.sem_alloc : memref<!tpu.dma_semaphore, #tpu.memory_space<semaphore_mem>>
      %dma_start3A_77 = arith.constant 0 : i32
      %dma_start3A_78 = tpu.memref_slice %arg5[%arg0, %mul3A_76, %dma_start3A_77] : memref<2x10240x16xf32, #tpu.memory_space<hbm>> -> memref<1x640x16xf32, #tpu.memory_space<hbm>>
      %dma_start3A_79 = tpu.memref_squeeze %dma_start3A_78 : memref<1x640x16xf32, #tpu.memory_space<hbm>> -> memref<640x16xf32, #tpu.memory_space<hbm>>
      %dma_start3A_80 = arith.constant 0 : i32
      %dma_start3A_81 = tpu.memref_slice %arg13[%mul3A_76, %dma_start3A_80] : memref<10240x16xf32, #tpu.memory_space<vmem_shared>> -> memref<640x16xf32, #tpu.memory_space<vmem_shared>>
      tpu.enqueue_dma source(%dma_start3A_81 : memref<640x16xf32, #tpu.memory_space<vmem_shared>>) target(%dma_start3A_79 : memref<640x16xf32, #tpu.memory_space<hbm>>) target_semaphore(%run_scoped3A : memref<!tpu.dma_semaphore, #tpu.memory_space<semaphore_mem>>)
      %dma_wait3A_82 = arith.constant 0 : i32
      %dma_wait3A_83 = tpu.memref_slice %arg5[%arg0, %mul3A_76, %dma_wait3A_82] : memref<2x10240x16xf32, #tpu.memory_space<hbm>> -> memref<1x640x16xf32, #tpu.memory_space<hbm>>
      %dma_wait3A_84 = tpu.memref_squeeze %dma_wait3A_83 : memref<1x640x16xf32, #tpu.memory_space<hbm>> -> memref<640x16xf32, #tpu.memory_space<hbm>>
      %dma_wait3A_85 = arith.constant 0 : i32
      %dma_wait3A_86 = tpu.memref_slice %arg13[%mul3A_76, %dma_wait3A_85] : memref<10240x16xf32, #tpu.memory_space<vmem_shared>> -> memref<640x16xf32, #tpu.memory_space<vmem_shared>>
      tpu.wait_dma2 semaphore(%run_scoped3A : memref<!tpu.dma_semaphore, #tpu.memory_space<semaphore_mem>>) src(%dma_wait3A_86 : memref<640x16xf32, #tpu.memory_space<vmem_shared>>) dst(%dma_wait3A_84 : memref<640x16xf32, #tpu.memory_space<hbm>>)
      tpu.yield
    }) : () -> ()
    return
  }
}

#map = affine_map<(d0, d1) -> (0, 0, 0)>
module attributes {stable_mosaic.version = 14 : i64} {
  func.func @deg_kernel(%arg0: i32, %arg1: i32, %arg2: memref<32x625x16xi32, #tpu.memory_space<hbm>>, %arg3: memref<32x8x1280xf32, #tpu.memory_space<hbm>>, %arg4: memref<625x16xi32, #tpu.memory_space<vmem>>, %arg5: memref<8x1280xf32, #tpu.memory_space<vmem>>) attributes {dimension_semantics = [#tpu.dimension_semantics<core_parallel>, #tpu.dimension_semantics<subcore_parallel>], iteration_bounds = array<i64: 2, 16>, scalar_prefetch = 0 : i64, scratch_operands = 2 : i64, tpu.core_type = #tpu.core_type<sc_vector_subcore>, window_params = [{transform_indices = #map}, {transform_indices = #map}]} {
    %mul3A = arith.constant 16 : i32
    %mul3A_0 = arith.muli %arg0, %mul3A : i32
    %add3A = arith.addi %mul3A_0, %arg1 : i32
    "tpu.region"() ({
      %run_scoped3A = tpu.sem_alloc : memref<!tpu.dma_semaphore, #tpu.memory_space<semaphore_mem>>
      %dma_start3A = arith.constant 0 : i32
      %dma_start3A_15 = arith.constant 0 : i32
      %dma_start3A_16 = tpu.memref_slice %arg2[%add3A, %dma_start3A, %dma_start3A_15] : memref<32x625x16xi32, #tpu.memory_space<hbm>> -> memref<1x625x16xi32, #tpu.memory_space<hbm>>
      %dma_start3A_17 = tpu.memref_squeeze %dma_start3A_16 : memref<1x625x16xi32, #tpu.memory_space<hbm>> -> memref<625x16xi32, #tpu.memory_space<hbm>>
      %dma_start3A_18 = arith.constant 0 : i32
      %dma_start3A_19 = arith.constant 0 : i32
      %dma_start3A_20 = tpu.memref_slice %arg2[%add3A, %dma_start3A_18, %dma_start3A_19] : memref<32x625x16xi32, #tpu.memory_space<hbm>> -> memref<1x625x16xi32, #tpu.memory_space<hbm>>
      %dma_start3A_21 = tpu.memref_squeeze %dma_start3A_20 : memref<1x625x16xi32, #tpu.memory_space<hbm>> -> memref<625x16xi32, #tpu.memory_space<hbm>>
      tpu.enqueue_dma source(%dma_start3A_21 : memref<625x16xi32, #tpu.memory_space<hbm>>) target(%arg4 : memref<625x16xi32, #tpu.memory_space<vmem>>) target_semaphore(%run_scoped3A : memref<!tpu.dma_semaphore, #tpu.memory_space<semaphore_mem>>)
      %dma_wait3A = arith.constant 0 : i32
      %dma_wait3A_22 = arith.constant 0 : i32
      %dma_wait3A_23 = tpu.memref_slice %arg2[%add3A, %dma_wait3A, %dma_wait3A_22] : memref<32x625x16xi32, #tpu.memory_space<hbm>> -> memref<1x625x16xi32, #tpu.memory_space<hbm>>
      %dma_wait3A_24 = tpu.memref_squeeze %dma_wait3A_23 : memref<1x625x16xi32, #tpu.memory_space<hbm>> -> memref<625x16xi32, #tpu.memory_space<hbm>>
      %dma_wait3A_25 = arith.constant 0 : i32
      %dma_wait3A_26 = arith.constant 0 : i32
      %dma_wait3A_27 = tpu.memref_slice %arg2[%add3A, %dma_wait3A_25, %dma_wait3A_26] : memref<32x625x16xi32, #tpu.memory_space<hbm>> -> memref<1x625x16xi32, #tpu.memory_space<hbm>>
      %dma_wait3A_28 = tpu.memref_squeeze %dma_wait3A_27 : memref<1x625x16xi32, #tpu.memory_space<hbm>> -> memref<625x16xi32, #tpu.memory_space<hbm>>
      tpu.wait_dma2 semaphore(%run_scoped3A : memref<!tpu.dma_semaphore, #tpu.memory_space<semaphore_mem>>) src(%dma_wait3A_28 : memref<625x16xi32, #tpu.memory_space<hbm>>) dst(%arg4 : memref<625x16xi32, #tpu.memory_space<vmem>>)
      tpu.yield
    }) : () -> ()
    %scan3A = arith.constant 0 : i32
    %scan3A_1 = arith.constant 0 : i32
    %scan3A_2 = arith.constant 80 : i32
    %scan3A_3 = arith.addi %scan3A_1, %scan3A_2 : i32
    %scan3A_4 = arith.constant 1 : i32
    %scan3A_5 = scf.for %scan3A_15 = %scan3A_1 to %scan3A_3 step %scan3A_4 iter_args(%scan3A_16 = %scan3A) -> (i32)  : i32 {
      %broadcast_in_dim3A_17 = arith.constant 0.000000e+00 : f32
      %broadcast_in_dim3A_18 = vector.broadcast %broadcast_in_dim3A_17 : f32 to vector<16xf32>
      %mul3A_19 = arith.constant 16 : i32
      %mul3A_20 = arith.muli %scan3A_15, %mul3A_19 : i32
      %swap3A = arith.constant 0 : i32
      %swap3A_21 = arith.index_cast %swap3A : i32 to index
      %swap3A_22 = arith.index_cast %mul3A_20 : i32 to index
      %swap3A_23 = tpu.vector_load %arg5[%swap3A_21, %swap3A_22] {strides = array<i32>} : memref<8x1280xf32, #tpu.memory_space<vmem>>, vector<16xf32>,
      tpu.vector_store %arg5[%swap3A_21, %swap3A_22], %broadcast_in_dim3A_18 {strides = array<i32>} : memref<8x1280xf32, #tpu.memory_space<vmem>>, vector<16xf32>,
      %broadcast_in_dim3A_24 = arith.constant 0.000000e+00 : f32
      %broadcast_in_dim3A_25 = vector.broadcast %broadcast_in_dim3A_24 : f32 to vector<16xf32>
      %mul3A_26 = arith.constant 16 : i32
      %mul3A_27 = arith.muli %scan3A_15, %mul3A_26 : i32
      %swap3A_28 = arith.constant 1 : i32
      %swap3A_29 = arith.index_cast %swap3A_28 : i32 to index
      %swap3A_30 = arith.index_cast %mul3A_27 : i32 to index
      %swap3A_31 = tpu.vector_load %arg5[%swap3A_29, %swap3A_30] {strides = array<i32>} : memref<8x1280xf32, #tpu.memory_space<vmem>>, vector<16xf32>,
      tpu.vector_store %arg5[%swap3A_29, %swap3A_30], %broadcast_in_dim3A_25 {strides = array<i32>} : memref<8x1280xf32, #tpu.memory_space<vmem>>, vector<16xf32>,
      %broadcast_in_dim3A_32 = arith.constant 0.000000e+00 : f32
      %broadcast_in_dim3A_33 = vector.broadcast %broadcast_in_dim3A_32 : f32 to vector<16xf32>
      %mul3A_34 = arith.constant 16 : i32
      %mul3A_35 = arith.muli %scan3A_15, %mul3A_34 : i32
      %swap3A_36 = arith.constant 2 : i32
      %swap3A_37 = arith.index_cast %swap3A_36 : i32 to index
      %swap3A_38 = arith.index_cast %mul3A_35 : i32 to index
      %swap3A_39 = tpu.vector_load %arg5[%swap3A_37, %swap3A_38] {strides = array<i32>} : memref<8x1280xf32, #tpu.memory_space<vmem>>, vector<16xf32>,
      tpu.vector_store %arg5[%swap3A_37, %swap3A_38], %broadcast_in_dim3A_33 {strides = array<i32>} : memref<8x1280xf32, #tpu.memory_space<vmem>>, vector<16xf32>,
      %broadcast_in_dim3A_40 = arith.constant 0.000000e+00 : f32
      %broadcast_in_dim3A_41 = vector.broadcast %broadcast_in_dim3A_40 : f32 to vector<16xf32>
      %mul3A_42 = arith.constant 16 : i32
      %mul3A_43 = arith.muli %scan3A_15, %mul3A_42 : i32
      %swap3A_44 = arith.constant 3 : i32
      %swap3A_45 = arith.index_cast %swap3A_44 : i32 to index
      %swap3A_46 = arith.index_cast %mul3A_43 : i32 to index
      %swap3A_47 = tpu.vector_load %arg5[%swap3A_45, %swap3A_46] {strides = array<i32>} : memref<8x1280xf32, #tpu.memory_space<vmem>>, vector<16xf32>,
      tpu.vector_store %arg5[%swap3A_45, %swap3A_46], %broadcast_in_dim3A_41 {strides = array<i32>} : memref<8x1280xf32, #tpu.memory_space<vmem>>, vector<16xf32>,
      %broadcast_in_dim3A_48 = arith.constant 0.000000e+00 : f32
      %broadcast_in_dim3A_49 = vector.broadcast %broadcast_in_dim3A_48 : f32 to vector<16xf32>
      %mul3A_50 = arith.constant 16 : i32
      %mul3A_51 = arith.muli %scan3A_15, %mul3A_50 : i32
      %swap3A_52 = arith.constant 4 : i32
      %swap3A_53 = arith.index_cast %swap3A_52 : i32 to index
      %swap3A_54 = arith.index_cast %mul3A_51 : i32 to index
      %swap3A_55 = tpu.vector_load %arg5[%swap3A_53, %swap3A_54] {strides = array<i32>} : memref<8x1280xf32, #tpu.memory_space<vmem>>, vector<16xf32>,
      tpu.vector_store %arg5[%swap3A_53, %swap3A_54], %broadcast_in_dim3A_49 {strides = array<i32>} : memref<8x1280xf32, #tpu.memory_space<vmem>>, vector<16xf32>,
      %broadcast_in_dim3A_56 = arith.constant 0.000000e+00 : f32
      %broadcast_in_dim3A_57 = vector.broadcast %broadcast_in_dim3A_56 : f32 to vector<16xf32>
      %mul3A_58 = arith.constant 16 : i32
      %mul3A_59 = arith.muli %scan3A_15, %mul3A_58 : i32
      %swap3A_60 = arith.constant 5 : i32
      %swap3A_61 = arith.index_cast %swap3A_60 : i32 to index
      %swap3A_62 = arith.index_cast %mul3A_59 : i32 to index
      %swap3A_63 = tpu.vector_load %arg5[%swap3A_61, %swap3A_62] {strides = array<i32>} : memref<8x1280xf32, #tpu.memory_space<vmem>>, vector<16xf32>,
      tpu.vector_store %arg5[%swap3A_61, %swap3A_62], %broadcast_in_dim3A_57 {strides = array<i32>} : memref<8x1280xf32, #tpu.memory_space<vmem>>, vector<16xf32>,
      %broadcast_in_dim3A_64 = arith.constant 0.000000e+00 : f32
      %broadcast_in_dim3A_65 = vector.broadcast %broadcast_in_dim3A_64 : f32 to vector<16xf32>
      %mul3A_66 = arith.constant 16 : i32
      %mul3A_67 = arith.muli %scan3A_15, %mul3A_66 : i32
      %swap3A_68 = arith.constant 6 : i32
      %swap3A_69 = arith.index_cast %swap3A_68 : i32 to index
      %swap3A_70 = arith.index_cast %mul3A_67 : i32 to index
      %swap3A_71 = tpu.vector_load %arg5[%swap3A_69, %swap3A_70] {strides = array<i32>} : memref<8x1280xf32, #tpu.memory_space<vmem>>, vector<16xf32>,
      tpu.vector_store %arg5[%swap3A_69, %swap3A_70], %broadcast_in_dim3A_65 {strides = array<i32>} : memref<8x1280xf32, #tpu.memory_space<vmem>>, vector<16xf32>,
      %broadcast_in_dim3A_72 = arith.constant 0.000000e+00 : f32
      %broadcast_in_dim3A_73 = vector.broadcast %broadcast_in_dim3A_72 : f32 to vector<16xf32>
      %mul3A_74 = arith.constant 16 : i32
      %mul3A_75 = arith.muli %scan3A_15, %mul3A_74 : i32
      %swap3A_76 = arith.constant 7 : i32
      %swap3A_77 = arith.index_cast %swap3A_76 : i32 to index
      %swap3A_78 = arith.index_cast %mul3A_75 : i32 to index
      %swap3A_79 = tpu.vector_load %arg5[%swap3A_77, %swap3A_78] {strides = array<i32>} : memref<8x1280xf32, #tpu.memory_space<vmem>>, vector<16xf32>,
      tpu.vector_store %arg5[%swap3A_77, %swap3A_78], %broadcast_in_dim3A_73 {strides = array<i32>} : memref<8x1280xf32, #tpu.memory_space<vmem>>, vector<16xf32>,
      %scan3A_80 = arith.constant 0 : i32
      scf.yield %scan3A_80 : i32
    }
    %scan3A_6 = arith.constant 80 : i32
    %broadcast_in_dim3A = arith.constant 1.000000e+00 : f32
    %broadcast_in_dim3A_7 = vector.broadcast %broadcast_in_dim3A : f32 to vector<16xf32>
    %scan3A_8 = arith.constant 0 : i32
    %scan3A_9 = arith.constant 0 : i32
    %scan3A_10 = arith.constant 625 : i32
    %scan3A_11 = arith.addi %scan3A_9, %scan3A_10 : i32
    %scan3A_12 = arith.constant 1 : i32
    %scan3A_13 = scf.for %scan3A_15 = %scan3A_9 to %scan3A_11 step %scan3A_12 iter_args(%scan3A_16 = %scan3A_8) -> (i32)  : i32 {
      %get3A = arith.index_cast %scan3A_15 : i32 to index
      %get3A_17 = arith.constant 0 : index
      %get3A_18 = tpu.vector_load %arg4[%get3A, %get3A_17] {strides = array<i32>} : memref<625x16xi32, #tpu.memory_space<vmem>>, vector<16xi32>,
      %and3A = arith.constant 7 : i32
      %and3A_19 = vector.broadcast %and3A : i32 to vector<16xi32>
      %and3A_20 = arith.andi %get3A_18, %and3A_19 : vector<16xi32>
      %shift_right_arithmetic3A = arith.constant 3 : i32
      %shift_right_arithmetic3A_21 = vector.broadcast %shift_right_arithmetic3A : i32 to vector<16xi32>
      %shift_right_arithmetic3A_22 = arith.shrsi %get3A_18, %shift_right_arithmetic3A_21 : vector<16xi32>
      tpu.vector_store_idx %arg5[%and3A_20, %shift_right_arithmetic3A_22], %broadcast_in_dim3A_7 {add = true} : memref<8x1280xf32, #tpu.memory_space<vmem>>[vector<16xi32>, vector<16xi32>], vector<16xf32>,
      %scan3A_23 = arith.constant 0 : i32
      scf.yield %scan3A_23 : i32
    }
    %scan3A_14 = arith.constant 625 : i32
    "tpu.region"() ({
      %run_scoped3A = tpu.sem_alloc : memref<!tpu.dma_semaphore, #tpu.memory_space<semaphore_mem>>
      %dma_start3A = arith.constant 0 : i32
      %dma_start3A_15 = arith.constant 0 : i32
      %dma_start3A_16 = tpu.memref_slice %arg3[%add3A, %dma_start3A, %dma_start3A_15] : memref<32x8x1280xf32, #tpu.memory_space<hbm>> -> memref<1x8x1280xf32, #tpu.memory_space<hbm>>
      %dma_start3A_17 = tpu.memref_squeeze %dma_start3A_16 : memref<1x8x1280xf32, #tpu.memory_space<hbm>> -> memref<8x1280xf32, #tpu.memory_space<hbm>>
      %dma_start3A_18 = arith.constant 0 : i32
      %dma_start3A_19 = arith.constant 0 : i32
      %dma_start3A_20 = tpu.memref_slice %arg3[%add3A, %dma_start3A_18, %dma_start3A_19] : memref<32x8x1280xf32, #tpu.memory_space<hbm>> -> memref<1x8x1280xf32, #tpu.memory_space<hbm>>
      %dma_start3A_21 = tpu.memref_squeeze %dma_start3A_20 : memref<1x8x1280xf32, #tpu.memory_space<hbm>> -> memref<8x1280xf32, #tpu.memory_space<hbm>>
      tpu.enqueue_dma source(%arg5 : memref<8x1280xf32, #tpu.memory_space<vmem>>) target(%dma_start3A_21 : memref<8x1280xf32, #tpu.memory_space<hbm>>) target_semaphore(%run_scoped3A : memref<!tpu.dma_semaphore, #tpu.memory_space<semaphore_mem>>)
      %dma_wait3A = arith.constant 0 : i32
      %dma_wait3A_22 = arith.constant 0 : i32
      %dma_wait3A_23 = tpu.memref_slice %arg3[%add3A, %dma_wait3A, %dma_wait3A_22] : memref<32x8x1280xf32, #tpu.memory_space<hbm>> -> memref<1x8x1280xf32, #tpu.memory_space<hbm>>
      %dma_wait3A_24 = tpu.memref_squeeze %dma_wait3A_23 : memref<1x8x1280xf32, #tpu.memory_space<hbm>> -> memref<8x1280xf32, #tpu.memory_space<hbm>>
      %dma_wait3A_25 = arith.constant 0 : i32
      %dma_wait3A_26 = arith.constant 0 : i32
      %dma_wait3A_27 = tpu.memref_slice %arg3[%add3A, %dma_wait3A_25, %dma_wait3A_26] : memref<32x8x1280xf32, #tpu.memory_space<hbm>> -> memref<1x8x1280xf32, #tpu.memory_space<hbm>>
      %dma_wait3A_28 = tpu.memref_squeeze %dma_wait3A_27 : memref<1x8x1280xf32, #tpu.memory_space<hbm>> -> memref<8x1280xf32, #tpu.memory_space<hbm>>
      tpu.wait_dma2 semaphore(%run_scoped3A : memref<!tpu.dma_semaphore, #tpu.memory_space<semaphore_mem>>) src(%arg5 : memref<8x1280xf32, #tpu.memory_space<vmem>>) dst(%dma_wait3A_28 : memref<8x1280xf32, #tpu.memory_space<hbm>>)
      tpu.yield
    }) : () -> ()
    return
  }
}

#map = affine_map<(d0, d1) -> (0, 0)>
#map1 = affine_map<(d0, d1) -> (0, 0, 0)>
module attributes {stable_mosaic.version = 14 : i64} {
  func.func @agg_kernel(%arg0: i32, %arg1: i32, %arg2: memref<10000x16xf32, #tpu.memory_space<hbm>>, %arg3: memref<32x80x125xi32, #tpu.memory_space<hbm>>, %arg4: memref<32x80x125xi32, #tpu.memory_space<hbm>>, %arg5: memref<2x10240x16xf32, #tpu.memory_space<hbm>>, %arg6: memref<80x125xi32, #tpu.memory_space<vmem>>, %arg7: memref<80x125xi32, #tpu.memory_space<vmem>>, %arg8: memref<125x16xf32, #tpu.memory_space<vmem>>, %arg9: memref<125x16xf32, #tpu.memory_space<vmem>>, %arg10: memref<125x16xf32, #tpu.memory_space<vmem>>, %arg11: memref<125x16xf32, #tpu.memory_space<vmem>>, %arg12: memref<128x16xf32, #tpu.memory_space<vmem>>, %arg13: memref<10240x16xf32, #tpu.memory_space<vmem_shared>>, %arg14: memref<!tpu.dma_semaphore, #tpu.memory_space<semaphore_mem>>, %arg15: memref<!tpu.dma_semaphore, #tpu.memory_space<semaphore_mem>>, %arg16: memref<!tpu.dma_semaphore, #tpu.memory_space<semaphore_mem>>, %arg17: memref<!tpu.dma_semaphore, #tpu.memory_space<semaphore_mem>>, %arg18: memref<!tpu.dma_semaphore, #tpu.memory_space<semaphore_mem>>, %arg19: memref<!tpu.dma_semaphore, #tpu.memory_space<semaphore_mem>>, %arg20: memref<!tpu.dma_semaphore, #tpu.memory_space<semaphore_mem>>, %arg21: memref<!tpu.dma_semaphore, #tpu.memory_space<semaphore_mem>>) attributes {dimension_semantics = [#tpu.dimension_semantics<core_parallel>, #tpu.dimension_semantics<subcore_parallel>], iteration_bounds = array<i64: 2, 16>, scalar_prefetch = 0 : i64, scratch_operands = 16 : i64, tpu.core_type = #tpu.core_type<sc_vector_subcore>, window_params = [{transform_indices = #map}, {transform_indices = #map1}, {transform_indices = #map1}, {transform_indices = #map1}]} {
    %mul3A = arith.constant 16 : i32
    %mul3A_0 = arith.muli %arg0, %mul3A : i32
    %add3A = arith.addi %mul3A_0, %arg1 : i32
    "tpu.region"() ({
      %run_scoped3A = tpu.sem_alloc : memref<!tpu.dma_semaphore, #tpu.memory_space<semaphore_mem>>
      %dma_start3A_77 = arith.constant 0 : i32
      %dma_start3A_78 = arith.constant 0 : i32
      %dma_start3A_79 = tpu.memref_slice %arg3[%add3A, %dma_start3A_77, %dma_start3A_78] : memref<32x80x125xi32, #tpu.memory_space<hbm>> -> memref<1x80x125xi32, #tpu.memory_space<hbm>>
      %dma_start3A_80 = tpu.memref_squeeze %dma_start3A_79 : memref<1x80x125xi32, #tpu.memory_space<hbm>> -> memref<80x125xi32, #tpu.memory_space<hbm>>
      %dma_start3A_81 = arith.constant 0 : i32
      %dma_start3A_82 = arith.constant 0 : i32
      %dma_start3A_83 = tpu.memref_slice %arg3[%add3A, %dma_start3A_81, %dma_start3A_82] : memref<32x80x125xi32, #tpu.memory_space<hbm>> -> memref<1x80x125xi32, #tpu.memory_space<hbm>>
      %dma_start3A_84 = tpu.memref_squeeze %dma_start3A_83 : memref<1x80x125xi32, #tpu.memory_space<hbm>> -> memref<80x125xi32, #tpu.memory_space<hbm>>
      tpu.enqueue_dma source(%dma_start3A_84 : memref<80x125xi32, #tpu.memory_space<hbm>>) target(%arg6 : memref<80x125xi32, #tpu.memory_space<vmem>>) target_semaphore(%run_scoped3A : memref<!tpu.dma_semaphore, #tpu.memory_space<semaphore_mem>>)
      %dma_wait3A_85 = arith.constant 0 : i32
      %dma_wait3A_86 = arith.constant 0 : i32
      %dma_wait3A_87 = tpu.memref_slice %arg3[%add3A, %dma_wait3A_85, %dma_wait3A_86] : memref<32x80x125xi32, #tpu.memory_space<hbm>> -> memref<1x80x125xi32, #tpu.memory_space<hbm>>
      %dma_wait3A_88 = tpu.memref_squeeze %dma_wait3A_87 : memref<1x80x125xi32, #tpu.memory_space<hbm>> -> memref<80x125xi32, #tpu.memory_space<hbm>>
      %dma_wait3A_89 = arith.constant 0 : i32
      %dma_wait3A_90 = arith.constant 0 : i32
      %dma_wait3A_91 = tpu.memref_slice %arg3[%add3A, %dma_wait3A_89, %dma_wait3A_90] : memref<32x80x125xi32, #tpu.memory_space<hbm>> -> memref<1x80x125xi32, #tpu.memory_space<hbm>>
      %dma_wait3A_92 = tpu.memref_squeeze %dma_wait3A_91 : memref<1x80x125xi32, #tpu.memory_space<hbm>> -> memref<80x125xi32, #tpu.memory_space<hbm>>
      tpu.wait_dma2 semaphore(%run_scoped3A : memref<!tpu.dma_semaphore, #tpu.memory_space<semaphore_mem>>) src(%dma_wait3A_92 : memref<80x125xi32, #tpu.memory_space<hbm>>) dst(%arg6 : memref<80x125xi32, #tpu.memory_space<vmem>>)
      tpu.yield
    }) : () -> ()
    "tpu.region"() ({
      %run_scoped3A = tpu.sem_alloc : memref<!tpu.dma_semaphore, #tpu.memory_space<semaphore_mem>>
      %dma_start3A_77 = arith.constant 0 : i32
      %dma_start3A_78 = arith.constant 0 : i32
      %dma_start3A_79 = tpu.memref_slice %arg4[%add3A, %dma_start3A_77, %dma_start3A_78] : memref<32x80x125xi32, #tpu.memory_space<hbm>> -> memref<1x80x125xi32, #tpu.memory_space<hbm>>
      %dma_start3A_80 = tpu.memref_squeeze %dma_start3A_79 : memref<1x80x125xi32, #tpu.memory_space<hbm>> -> memref<80x125xi32, #tpu.memory_space<hbm>>
      %dma_start3A_81 = arith.constant 0 : i32
      %dma_start3A_82 = arith.constant 0 : i32
      %dma_start3A_83 = tpu.memref_slice %arg4[%add3A, %dma_start3A_81, %dma_start3A_82] : memref<32x80x125xi32, #tpu.memory_space<hbm>> -> memref<1x80x125xi32, #tpu.memory_space<hbm>>
      %dma_start3A_84 = tpu.memref_squeeze %dma_start3A_83 : memref<1x80x125xi32, #tpu.memory_space<hbm>> -> memref<80x125xi32, #tpu.memory_space<hbm>>
      tpu.enqueue_dma source(%dma_start3A_84 : memref<80x125xi32, #tpu.memory_space<hbm>>) target(%arg7 : memref<80x125xi32, #tpu.memory_space<vmem>>) target_semaphore(%run_scoped3A : memref<!tpu.dma_semaphore, #tpu.memory_space<semaphore_mem>>)
      %dma_wait3A_85 = arith.constant 0 : i32
      %dma_wait3A_86 = arith.constant 0 : i32
      %dma_wait3A_87 = tpu.memref_slice %arg4[%add3A, %dma_wait3A_85, %dma_wait3A_86] : memref<32x80x125xi32, #tpu.memory_space<hbm>> -> memref<1x80x125xi32, #tpu.memory_space<hbm>>
      %dma_wait3A_88 = tpu.memref_squeeze %dma_wait3A_87 : memref<1x80x125xi32, #tpu.memory_space<hbm>> -> memref<80x125xi32, #tpu.memory_space<hbm>>
      %dma_wait3A_89 = arith.constant 0 : i32
      %dma_wait3A_90 = arith.constant 0 : i32
      %dma_wait3A_91 = tpu.memref_slice %arg4[%add3A, %dma_wait3A_89, %dma_wait3A_90] : memref<32x80x125xi32, #tpu.memory_space<hbm>> -> memref<1x80x125xi32, #tpu.memory_space<hbm>>
      %dma_wait3A_92 = tpu.memref_squeeze %dma_wait3A_91 : memref<1x80x125xi32, #tpu.memory_space<hbm>> -> memref<80x125xi32, #tpu.memory_space<hbm>>
      tpu.wait_dma2 semaphore(%run_scoped3A : memref<!tpu.dma_semaphore, #tpu.memory_space<semaphore_mem>>) src(%dma_wait3A_92 : memref<80x125xi32, #tpu.memory_space<hbm>>) dst(%arg7 : memref<80x125xi32, #tpu.memory_space<vmem>>)
      tpu.yield
    }) : () -> ()
    %scan3A = arith.constant 0 : i32
    %scan3A_1 = arith.constant 0 : i32
    %scan3A_2 = arith.constant 128 : i32
    %scan3A_3 = arith.addi %scan3A_1, %scan3A_2 : i32
    %scan3A_4 = arith.constant 1 : i32
    %scan3A_5 = scf.for %scan3A_77 = %scan3A_1 to %scan3A_3 step %scan3A_4 iter_args(%scan3A_78 = %scan3A) -> (i32)  : i32 {
      %broadcast_in_dim3A = arith.constant 0.000000e+00 : f32
      %broadcast_in_dim3A_79 = vector.broadcast %broadcast_in_dim3A : f32 to vector<16xf32>
      %swap3A = arith.index_cast %scan3A_77 : i32 to index
      %swap3A_80 = arith.constant 0 : index
      %swap3A_81 = tpu.vector_load %arg12[%swap3A, %swap3A_80] {strides = array<i32>} : memref<128x16xf32, #tpu.memory_space<vmem>>, vector<1x16xf32>,
      %swap3A_82 = vector.shape_cast %swap3A_81 : vector<1x16xf32> to vector<16xf32>
      %swap3A_83 = vector.shape_cast %broadcast_in_dim3A_79 : vector<16xf32> to vector<1x16xf32>
      tpu.vector_store %arg12[%swap3A, %swap3A_80], %swap3A_83 {strides = array<i32>} : memref<128x16xf32, #tpu.memory_space<vmem>>, vector<1x16xf32>,
      %scan3A_84 = arith.constant 0 : i32
      scf.yield %scan3A_84 : i32
    }
    %scan3A_6 = arith.constant 128 : i32
    %mul3A_7 = arith.constant 640 : i32
    %mul3A_8 = arith.muli %arg1, %mul3A_7 : i32
    %add3A_9 = arith.constant 0 : i32
    %add3A_10 = arith.addi %mul3A_8, %add3A_9 : i32
    "tpu.region"() ({
      %run_scoped3A = tpu.sem_alloc : memref<!tpu.dma_semaphore, #tpu.memory_space<semaphore_mem>>
      %dma_start3A_77 = arith.constant 0 : i32
      %dma_start3A_78 = tpu.memref_slice %arg13[%add3A_10, %dma_start3A_77] : memref<10240x16xf32, #tpu.memory_space<vmem_shared>> -> memref<128x16xf32, #tpu.memory_space<vmem_shared>>
      %dma_start3A_79 = arith.constant 0 : i32
      %dma_start3A_80 = tpu.memref_slice %arg13[%add3A_10, %dma_start3A_79] : memref<10240x16xf32, #tpu.memory_space<vmem_shared>> -> memref<128x16xf32, #tpu.memory_space<vmem_shared>>
      tpu.enqueue_dma source(%arg12 : memref<128x16xf32, #tpu.memory_space<vmem>>) target(%dma_start3A_80 : memref<128x16xf32, #tpu.memory_space<vmem_shared>>) target_semaphore(%run_scoped3A : memref<!tpu.dma_semaphore, #tpu.memory_space<semaphore_mem>>)
      %dma_wait3A_81 = arith.constant 0 : i32
      %dma_wait3A_82 = tpu.memref_slice %arg13[%add3A_10, %dma_wait3A_81] : memref<10240x16xf32, #tpu.memory_space<vmem_shared>> -> memref<128x16xf32, #tpu.memory_space<vmem_shared>>
      %dma_wait3A_83 = arith.constant 0 : i32
      %dma_wait3A_84 = tpu.memref_slice %arg13[%add3A_10, %dma_wait3A_83] : memref<10240x16xf32, #tpu.memory_space<vmem_shared>> -> memref<128x16xf32, #tpu.memory_space<vmem_shared>>
      tpu.wait_dma2 semaphore(%run_scoped3A : memref<!tpu.dma_semaphore, #tpu.memory_space<semaphore_mem>>) src(%arg12 : memref<128x16xf32, #tpu.memory_space<vmem>>) dst(%dma_wait3A_84 : memref<128x16xf32, #tpu.memory_space<vmem_shared>>)
      tpu.yield
    }) : () -> ()
    %mul3A_11 = arith.constant 640 : i32
    %mul3A_12 = arith.muli %arg1, %mul3A_11 : i32
    %add3A_13 = arith.constant 128 : i32
    %add3A_14 = arith.addi %mul3A_12, %add3A_13 : i32
    "tpu.region"() ({
      %run_scoped3A = tpu.sem_alloc : memref<!tpu.dma_semaphore, #tpu.memory_space<semaphore_mem>>
      %dma_start3A_77 = arith.constant 0 : i32
      %dma_start3A_78 = tpu.memref_slice %arg13[%add3A_14, %dma_start3A_77] : memref<10240x16xf32, #tpu.memory_space<vmem_shared>> -> memref<128x16xf32, #tpu.memory_space<vmem_shared>>
      %dma_start3A_79 = arith.constant 0 : i32
      %dma_start3A_80 = tpu.memref_slice %arg13[%add3A_14, %dma_start3A_79] : memref<10240x16xf32, #tpu.memory_space<vmem_shared>> -> memref<128x16xf32, #tpu.memory_space<vmem_shared>>
      tpu.enqueue_dma source(%arg12 : memref<128x16xf32, #tpu.memory_space<vmem>>) target(%dma_start3A_80 : memref<128x16xf32, #tpu.memory_space<vmem_shared>>) target_semaphore(%run_scoped3A : memref<!tpu.dma_semaphore, #tpu.memory_space<semaphore_mem>>)
      %dma_wait3A_81 = arith.constant 0 : i32
      %dma_wait3A_82 = tpu.memref_slice %arg13[%add3A_14, %dma_wait3A_81] : memref<10240x16xf32, #tpu.memory_space<vmem_shared>> -> memref<128x16xf32, #tpu.memory_space<vmem_shared>>
      %dma_wait3A_83 = arith.constant 0 : i32
      %dma_wait3A_84 = tpu.memref_slice %arg13[%add3A_14, %dma_wait3A_83] : memref<10240x16xf32, #tpu.memory_space<vmem_shared>> -> memref<128x16xf32, #tpu.memory_space<vmem_shared>>
      tpu.wait_dma2 semaphore(%run_scoped3A : memref<!tpu.dma_semaphore, #tpu.memory_space<semaphore_mem>>) src(%arg12 : memref<128x16xf32, #tpu.memory_space<vmem>>) dst(%dma_wait3A_84 : memref<128x16xf32, #tpu.memory_space<vmem_shared>>)
      tpu.yield
    }) : () -> ()
    %mul3A_15 = arith.constant 640 : i32
    %mul3A_16 = arith.muli %arg1, %mul3A_15 : i32
    %add3A_17 = arith.constant 256 : i32
    %add3A_18 = arith.addi %mul3A_16, %add3A_17 : i32
    "tpu.region"() ({
      %run_scoped3A = tpu.sem_alloc : memref<!tpu.dma_semaphore, #tpu.memory_space<semaphore_mem>>
      %dma_start3A_77 = arith.constant 0 : i32
      %dma_start3A_78 = tpu.memref_slice %arg13[%add3A_18, %dma_start3A_77] : memref<10240x16xf32, #tpu.memory_space<vmem_shared>> -> memref<128x16xf32, #tpu.memory_space<vmem_shared>>
      %dma_start3A_79 = arith.constant 0 : i32
      %dma_start3A_80 = tpu.memref_slice %arg13[%add3A_18, %dma_start3A_79] : memref<10240x16xf32, #tpu.memory_space<vmem_shared>> -> memref<128x16xf32, #tpu.memory_space<vmem_shared>>
      tpu.enqueue_dma source(%arg12 : memref<128x16xf32, #tpu.memory_space<vmem>>) target(%dma_start3A_80 : memref<128x16xf32, #tpu.memory_space<vmem_shared>>) target_semaphore(%run_scoped3A : memref<!tpu.dma_semaphore, #tpu.memory_space<semaphore_mem>>)
      %dma_wait3A_81 = arith.constant 0 : i32
      %dma_wait3A_82 = tpu.memref_slice %arg13[%add3A_18, %dma_wait3A_81] : memref<10240x16xf32, #tpu.memory_space<vmem_shared>> -> memref<128x16xf32, #tpu.memory_space<vmem_shared>>
      %dma_wait3A_83 = arith.constant 0 : i32
      %dma_wait3A_84 = tpu.memref_slice %arg13[%add3A_18, %dma_wait3A_83] : memref<10240x16xf32, #tpu.memory_space<vmem_shared>> -> memref<128x16xf32, #tpu.memory_space<vmem_shared>>
      tpu.wait_dma2 semaphore(%run_scoped3A : memref<!tpu.dma_semaphore, #tpu.memory_space<semaphore_mem>>) src(%arg12 : memref<128x16xf32, #tpu.memory_space<vmem>>) dst(%dma_wait3A_84 : memref<128x16xf32, #tpu.memory_space<vmem_shared>>)
      tpu.yield
    }) : () -> ()
    %mul3A_19 = arith.constant 640 : i32
    %mul3A_20 = arith.muli %arg1, %mul3A_19 : i32
    %add3A_21 = arith.constant 384 : i32
    %add3A_22 = arith.addi %mul3A_20, %add3A_21 : i32
    "tpu.region"() ({
      %run_scoped3A = tpu.sem_alloc : memref<!tpu.dma_semaphore, #tpu.memory_space<semaphore_mem>>
      %dma_start3A_77 = arith.constant 0 : i32
      %dma_start3A_78 = tpu.memref_slice %arg13[%add3A_22, %dma_start3A_77] : memref<10240x16xf32, #tpu.memory_space<vmem_shared>> -> memref<128x16xf32, #tpu.memory_space<vmem_shared>>
      %dma_start3A_79 = arith.constant 0 : i32
      %dma_start3A_80 = tpu.memref_slice %arg13[%add3A_22, %dma_start3A_79] : memref<10240x16xf32, #tpu.memory_space<vmem_shared>> -> memref<128x16xf32, #tpu.memory_space<vmem_shared>>
      tpu.enqueue_dma source(%arg12 : memref<128x16xf32, #tpu.memory_space<vmem>>) target(%dma_start3A_80 : memref<128x16xf32, #tpu.memory_space<vmem_shared>>) target_semaphore(%run_scoped3A : memref<!tpu.dma_semaphore, #tpu.memory_space<semaphore_mem>>)
      %dma_wait3A_81 = arith.constant 0 : i32
      %dma_wait3A_82 = tpu.memref_slice %arg13[%add3A_22, %dma_wait3A_81] : memref<10240x16xf32, #tpu.memory_space<vmem_shared>> -> memref<128x16xf32, #tpu.memory_space<vmem_shared>>
      %dma_wait3A_83 = arith.constant 0 : i32
      %dma_wait3A_84 = tpu.memref_slice %arg13[%add3A_22, %dma_wait3A_83] : memref<10240x16xf32, #tpu.memory_space<vmem_shared>> -> memref<128x16xf32, #tpu.memory_space<vmem_shared>>
      tpu.wait_dma2 semaphore(%run_scoped3A : memref<!tpu.dma_semaphore, #tpu.memory_space<semaphore_mem>>) src(%arg12 : memref<128x16xf32, #tpu.memory_space<vmem>>) dst(%dma_wait3A_84 : memref<128x16xf32, #tpu.memory_space<vmem_shared>>)
      tpu.yield
    }) : () -> ()
    %mul3A_23 = arith.constant 640 : i32
    %mul3A_24 = arith.muli %arg1, %mul3A_23 : i32
    %add3A_25 = arith.constant 512 : i32
    %add3A_26 = arith.addi %mul3A_24, %add3A_25 : i32
    "tpu.region"() ({
      %run_scoped3A = tpu.sem_alloc : memref<!tpu.dma_semaphore, #tpu.memory_space<semaphore_mem>>
      %dma_start3A_77 = arith.constant 0 : i32
      %dma_start3A_78 = tpu.memref_slice %arg13[%add3A_26, %dma_start3A_77] : memref<10240x16xf32, #tpu.memory_space<vmem_shared>> -> memref<128x16xf32, #tpu.memory_space<vmem_shared>>
      %dma_start3A_79 = arith.constant 0 : i32
      %dma_start3A_80 = tpu.memref_slice %arg13[%add3A_26, %dma_start3A_79] : memref<10240x16xf32, #tpu.memory_space<vmem_shared>> -> memref<128x16xf32, #tpu.memory_space<vmem_shared>>
      tpu.enqueue_dma source(%arg12 : memref<128x16xf32, #tpu.memory_space<vmem>>) target(%dma_start3A_80 : memref<128x16xf32, #tpu.memory_space<vmem_shared>>) target_semaphore(%run_scoped3A : memref<!tpu.dma_semaphore, #tpu.memory_space<semaphore_mem>>)
      %dma_wait3A_81 = arith.constant 0 : i32
      %dma_wait3A_82 = tpu.memref_slice %arg13[%add3A_26, %dma_wait3A_81] : memref<10240x16xf32, #tpu.memory_space<vmem_shared>> -> memref<128x16xf32, #tpu.memory_space<vmem_shared>>
      %dma_wait3A_83 = arith.constant 0 : i32
      %dma_wait3A_84 = tpu.memref_slice %arg13[%add3A_26, %dma_wait3A_83] : memref<10240x16xf32, #tpu.memory_space<vmem_shared>> -> memref<128x16xf32, #tpu.memory_space<vmem_shared>>
      tpu.wait_dma2 semaphore(%run_scoped3A : memref<!tpu.dma_semaphore, #tpu.memory_space<semaphore_mem>>) src(%arg12 : memref<128x16xf32, #tpu.memory_space<vmem>>) dst(%dma_wait3A_84 : memref<128x16xf32, #tpu.memory_space<vmem_shared>>)
      tpu.yield
    }) : () -> ()
    %barrier3A = arith.constant 0 : index
    tpu.barrier barrier_id(%barrier3A)
    %dma_start3A = arith.constant 0 : i32
    %dma_start3A_27 = arith.constant 0 : i32
    %dma_start3A_28 = tpu.memref_slice %arg6[%dma_start3A, %dma_start3A_27] : memref<80x125xi32, #tpu.memory_space<vmem>> -> memref<1x125xi32, #tpu.memory_space<vmem>>
    %dma_start3A_29 = tpu.memref_squeeze %dma_start3A_28 : memref<1x125xi32, #tpu.memory_space<vmem>> -> memref<125xi32, #tpu.memory_space<vmem>>
    %dma_start3A_30 = arith.constant 0 : i32
    %dma_start3A_31 = arith.constant 0 : i32
    %dma_start3A_32 = tpu.memref_slice %arg2[%dma_start3A_30, %dma_start3A_31] : memref<10000x16xf32, #tpu.memory_space<hbm>> -> memref<10000x16xf32, #tpu.memory_space<hbm>>
    tpu.enqueue_indirect_dma source(%dma_start3A_32 : memref<10000x16xf32, #tpu.memory_space<hbm>>) target(%arg8 : memref<125x16xf32, #tpu.memory_space<vmem>>) offsets(%dma_start3A_29 : memref<125xi32, #tpu.memory_space<vmem>>) semaphore(%arg14 : memref<!tpu.dma_semaphore, #tpu.memory_space<semaphore_mem>>)
    %dma_start3A_33 = arith.constant 1 : i32
    %dma_start3A_34 = arith.constant 0 : i32
    %dma_start3A_35 = tpu.memref_slice %arg6[%dma_start3A_33, %dma_start3A_34] : memref<80x125xi32, #tpu.memory_space<vmem>> -> memref<1x125xi32, #tpu.memory_space<vmem>>
    %dma_start3A_36 = tpu.memref_squeeze %dma_start3A_35 : memref<1x125xi32, #tpu.memory_space<vmem>> -> memref<125xi32, #tpu.memory_space<vmem>>
    %dma_start3A_37 = arith.constant 0 : i32
    %dma_start3A_38 = arith.constant 0 : i32
    %dma_start3A_39 = tpu.memref_slice %arg2[%dma_start3A_37, %dma_start3A_38] : memref<10000x16xf32, #tpu.memory_space<hbm>> -> memref<10000x16xf32, #tpu.memory_space<hbm>>
    tpu.enqueue_indirect_dma source(%dma_start3A_39 : memref<10000x16xf32, #tpu.memory_space<hbm>>) target(%arg9 : memref<125x16xf32, #tpu.memory_space<vmem>>) offsets(%dma_start3A_36 : memref<125xi32, #tpu.memory_space<vmem>>) semaphore(%arg15 : memref<!tpu.dma_semaphore, #tpu.memory_space<semaphore_mem>>)
    %scan3A_40 = arith.constant 0 : i32
    %scan3A_41 = arith.constant 0 : i32
    %scan3A_42 = arith.constant 20 : i32
    %scan3A_43 = arith.addi %scan3A_41, %scan3A_42 : i32
    %scan3A_44 = arith.constant 1 : i32
    %scan3A_45 = scf.for %scan3A_77 = %scan3A_41 to %scan3A_43 step %scan3A_44 iter_args(%scan3A_78 = %scan3A_40) -> (i32)  : i32 {
      %mul3A_79 = arith.constant 4 : i32
      %mul3A_80 = arith.muli %scan3A_77, %mul3A_79 : i32
      %add3A_81 = arith.constant 0 : i32
      %add3A_82 = arith.addi %mul3A_80, %add3A_81 : i32
      %dma_wait3A_83 = arith.constant 0 : i32
      %dma_wait3A_84 = tpu.memref_slice %arg6[%add3A_82, %dma_wait3A_83] : memref<80x125xi32, #tpu.memory_space<vmem>> -> memref<1x125xi32, #tpu.memory_space<vmem>>
      %dma_wait3A_85 = tpu.memref_squeeze %dma_wait3A_84 : memref<1x125xi32, #tpu.memory_space<vmem>> -> memref<125xi32, #tpu.memory_space<vmem>>
      %dma_wait3A_86 = arith.constant 0 : i32
      %dma_wait3A_87 = arith.constant 0 : i32
      %dma_wait3A_88 = tpu.memref_slice %arg2[%dma_wait3A_86, %dma_wait3A_87] : memref<10000x16xf32, #tpu.memory_space<hbm>> -> memref<10000x16xf32, #tpu.memory_space<hbm>>
      tpu.wait_indirect_dma semaphore(%arg14 : memref<!tpu.dma_semaphore, #tpu.memory_space<semaphore_mem>>) src(%dma_wait3A_88 : memref<10000x16xf32, #tpu.memory_space<hbm>>) dst(%arg8 : memref<125x16xf32, #tpu.memory_space<vmem>>)
      %dma_start3A_89 = arith.constant 0 : i32
      %dma_start3A_90 = tpu.memref_slice %arg7[%add3A_82, %dma_start3A_89] : memref<80x125xi32, #tpu.memory_space<vmem>> -> memref<1x125xi32, #tpu.memory_space<vmem>>
      %dma_start3A_91 = tpu.memref_squeeze %dma_start3A_90 : memref<1x125xi32, #tpu.memory_space<vmem>> -> memref<125xi32, #tpu.memory_space<vmem>>
      %dma_start3A_92 = arith.constant 0 : i32
      %dma_start3A_93 = arith.constant 0 : i32
      %dma_start3A_94 = tpu.memref_slice %arg13[%dma_start3A_92, %dma_start3A_93] : memref<10240x16xf32, #tpu.memory_space<vmem_shared>> -> memref<10240x16xf32, #tpu.memory_space<vmem_shared>>
      tpu.enqueue_indirect_dma source(%arg8 : memref<125x16xf32, #tpu.memory_space<vmem>>) target(%dma_start3A_94 : memref<10240x16xf32, #tpu.memory_space<vmem_shared>>) offsets(%dma_start3A_91 : memref<125xi32, #tpu.memory_space<vmem>>) semaphore(%arg18 : memref<!tpu.dma_semaphore, #tpu.memory_space<semaphore_mem>>) {add = true}
      %add3A_95 = arith.constant 2 : i32
      %add3A_96 = arith.addi %add3A_82, %add3A_95 : i32
      %lt3A = arith.constant 80 : i32
      %lt3A_97 = arith.cmpi slt, %add3A_96, %lt3A : i32
      %convert_element_type3A = arith.extui %lt3A_97 : i1 to i32
      %cond3A = arith.constant 0 : i32
      %cond3A_98 = arith.cmpi ne, %convert_element_type3A, %cond3A : i32
      scf.if %cond3A_98 {
        %ge3A = arith.constant 2 : i32
        %ge3A_169 = arith.cmpi sge, %add3A_82, %ge3A : i32
        %convert_element_type3A_170 = arith.extui %ge3A_169 : i1 to i32
        %cond3A_171 = arith.constant 0 : i32
        %cond3A_172 = arith.cmpi ne, %convert_element_type3A_170, %cond3A_171 : i32
        scf.if %cond3A_172 {
          %sub3A = arith.constant 2 : i32
          %sub3A_181 = arith.subi %add3A_82, %sub3A : i32
          %dma_wait3A_182 = arith.constant 0 : i32
          %dma_wait3A_183 = tpu.memref_slice %arg7[%sub3A_181, %dma_wait3A_182] : memref<80x125xi32, #tpu.memory_space<vmem>> -> memref<1x125xi32, #tpu.memory_space<vmem>>
          %dma_wait3A_184 = tpu.memref_squeeze %dma_wait3A_183 : memref<1x125xi32, #tpu.memory_space<vmem>> -> memref<125xi32, #tpu.memory_space<vmem>>
          %dma_wait3A_185 = arith.constant 0 : i32
          %dma_wait3A_186 = arith.constant 0 : i32
          %dma_wait3A_187 = tpu.memref_slice %arg13[%dma_wait3A_185, %dma_wait3A_186] : memref<10240x16xf32, #tpu.memory_space<vmem_shared>> -> memref<10240x16xf32, #tpu.memory_space<vmem_shared>>
          tpu.wait_indirect_dma semaphore(%arg20 : memref<!tpu.dma_semaphore, #tpu.memory_space<semaphore_mem>>) src(%arg10 : memref<125x16xf32, #tpu.memory_space<vmem>>) dst(%dma_wait3A_187 : memref<10240x16xf32, #tpu.memory_space<vmem_shared>>)
        } else {
        }
        %add3A_173 = arith.constant 2 : i32
        %add3A_174 = arith.addi %add3A_82, %add3A_173 : i32
        %dma_start3A_175 = arith.constant 0 : i32
        %dma_start3A_176 = tpu.memref_slice %arg6[%add3A_174, %dma_start3A_175] : memref<80x125xi32, #tpu.memory_space<vmem>> -> memref<1x125xi32, #tpu.memory_space<vmem>>
        %dma_start3A_177 = tpu.memref_squeeze %dma_start3A_176 : memref<1x125xi32, #tpu.memory_space<vmem>> -> memref<125xi32, #tpu.memory_space<vmem>>
        %dma_start3A_178 = arith.constant 0 : i32
        %dma_start3A_179 = arith.constant 0 : i32
        %dma_start3A_180 = tpu.memref_slice %arg2[%dma_start3A_178, %dma_start3A_179] : memref<10000x16xf32, #tpu.memory_space<hbm>> -> memref<10000x16xf32, #tpu.memory_space<hbm>>
        tpu.enqueue_indirect_dma source(%dma_start3A_180 : memref<10000x16xf32, #tpu.memory_space<hbm>>) target(%arg10 : memref<125x16xf32, #tpu.memory_space<vmem>>) offsets(%dma_start3A_177 : memref<125xi32, #tpu.memory_space<vmem>>) semaphore(%arg16 : memref<!tpu.dma_semaphore, #tpu.memory_space<semaphore_mem>>)
      } else {
      }
      %mul3A_99 = arith.constant 4 : i32
      %mul3A_100 = arith.muli %scan3A_77, %mul3A_99 : i32
      %add3A_101 = arith.constant 1 : i32
      %add3A_102 = arith.addi %mul3A_100, %add3A_101 : i32
      %dma_wait3A_103 = arith.constant 0 : i32
      %dma_wait3A_104 = tpu.memref_slice %arg6[%add3A_102, %dma_wait3A_103] : memref<80x125xi32, #tpu.memory_space<vmem>> -> memref<1x125xi32, #tpu.memory_space<vmem>>
      %dma_wait3A_105 = tpu.memref_squeeze %dma_wait3A_104 : memref<1x125xi32, #tpu.memory_space<vmem>> -> memref<125xi32, #tpu.memory_space<vmem>>
      %dma_wait3A_106 = arith.constant 0 : i32
      %dma_wait3A_107 = arith.constant 0 : i32
      %dma_wait3A_108 = tpu.memref_slice %arg2[%dma_wait3A_106, %dma_wait3A_107] : memref<10000x16xf32, #tpu.memory_space<hbm>> -> memref<10000x16xf32, #tpu.memory_space<hbm>>
      tpu.wait_indirect_dma semaphore(%arg15 : memref<!tpu.dma_semaphore, #tpu.memory_space<semaphore_mem>>) src(%dma_wait3A_108 : memref<10000x16xf32, #tpu.memory_space<hbm>>) dst(%arg9 : memref<125x16xf32, #tpu.memory_space<vmem>>)
      %dma_start3A_109 = arith.constant 0 : i32
      %dma_start3A_110 = tpu.memref_slice %arg7[%add3A_102, %dma_start3A_109] : memref<80x125xi32, #tpu.memory_space<vmem>> -> memref<1x125xi32, #tpu.memory_space<vmem>>
      %dma_start3A_111 = tpu.memref_squeeze %dma_start3A_110 : memref<1x125xi32, #tpu.memory_space<vmem>> -> memref<125xi32, #tpu.memory_space<vmem>>
      %dma_start3A_112 = arith.constant 0 : i32
      %dma_start3A_113 = arith.constant 0 : i32
      %dma_start3A_114 = tpu.memref_slice %arg13[%dma_start3A_112, %dma_start3A_113] : memref<10240x16xf32, #tpu.memory_space<vmem_shared>> -> memref<10240x16xf32, #tpu.memory_space<vmem_shared>>
      tpu.enqueue_indirect_dma source(%arg9 : memref<125x16xf32, #tpu.memory_space<vmem>>) target(%dma_start3A_114 : memref<10240x16xf32, #tpu.memory_space<vmem_shared>>) offsets(%dma_start3A_111 : memref<125xi32, #tpu.memory_space<vmem>>) semaphore(%arg19 : memref<!tpu.dma_semaphore, #tpu.memory_space<semaphore_mem>>) {add = true}
      %add3A_115 = arith.constant 2 : i32
      %add3A_116 = arith.addi %add3A_102, %add3A_115 : i32
      %lt3A_117 = arith.constant 80 : i32
      %lt3A_118 = arith.cmpi slt, %add3A_116, %lt3A_117 : i32
      %convert_element_type3A_119 = arith.extui %lt3A_118 : i1 to i32
      %cond3A_120 = arith.constant 0 : i32
      %cond3A_121 = arith.cmpi ne, %convert_element_type3A_119, %cond3A_120 : i32
      scf.if %cond3A_121 {
        %ge3A = arith.constant 2 : i32
        %ge3A_169 = arith.cmpi sge, %add3A_102, %ge3A : i32
        %convert_element_type3A_170 = arith.extui %ge3A_169 : i1 to i32
        %cond3A_171 = arith.constant 0 : i32
        %cond3A_172 = arith.cmpi ne, %convert_element_type3A_170, %cond3A_171 : i32
        scf.if %cond3A_172 {
          %sub3A = arith.constant 2 : i32
          %sub3A_181 = arith.subi %add3A_102, %sub3A : i32
          %dma_wait3A_182 = arith.constant 0 : i32
          %dma_wait3A_183 = tpu.memref_slice %arg7[%sub3A_181, %dma_wait3A_182] : memref<80x125xi32, #tpu.memory_space<vmem>> -> memref<1x125xi32, #tpu.memory_space<vmem>>
          %dma_wait3A_184 = tpu.memref_squeeze %dma_wait3A_183 : memref<1x125xi32, #tpu.memory_space<vmem>> -> memref<125xi32, #tpu.memory_space<vmem>>
          %dma_wait3A_185 = arith.constant 0 : i32
          %dma_wait3A_186 = arith.constant 0 : i32
          %dma_wait3A_187 = tpu.memref_slice %arg13[%dma_wait3A_185, %dma_wait3A_186] : memref<10240x16xf32, #tpu.memory_space<vmem_shared>> -> memref<10240x16xf32, #tpu.memory_space<vmem_shared>>
          tpu.wait_indirect_dma semaphore(%arg21 : memref<!tpu.dma_semaphore, #tpu.memory_space<semaphore_mem>>) src(%arg11 : memref<125x16xf32, #tpu.memory_space<vmem>>) dst(%dma_wait3A_187 : memref<10240x16xf32, #tpu.memory_space<vmem_shared>>)
        } else {
        }
        %add3A_173 = arith.constant 2 : i32
        %add3A_174 = arith.addi %add3A_102, %add3A_173 : i32
        %dma_start3A_175 = arith.constant 0 : i32
        %dma_start3A_176 = tpu.memref_slice %arg6[%add3A_174, %dma_start3A_175] : memref<80x125xi32, #tpu.memory_space<vmem>> -> memref<1x125xi32, #tpu.memory_space<vmem>>
        %dma_start3A_177 = tpu.memref_squeeze %dma_start3A_176 : memref<1x125xi32, #tpu.memory_space<vmem>> -> memref<125xi32, #tpu.memory_space<vmem>>
        %dma_start3A_178 = arith.constant 0 : i32
        %dma_start3A_179 = arith.constant 0 : i32
        %dma_start3A_180 = tpu.memref_slice %arg2[%dma_start3A_178, %dma_start3A_179] : memref<10000x16xf32, #tpu.memory_space<hbm>> -> memref<10000x16xf32, #tpu.memory_space<hbm>>
        tpu.enqueue_indirect_dma source(%dma_start3A_180 : memref<10000x16xf32, #tpu.memory_space<hbm>>) target(%arg11 : memref<125x16xf32, #tpu.memory_space<vmem>>) offsets(%dma_start3A_177 : memref<125xi32, #tpu.memory_space<vmem>>) semaphore(%arg17 : memref<!tpu.dma_semaphore, #tpu.memory_space<semaphore_mem>>)
      } else {
      }
      %mul3A_122 = arith.constant 4 : i32
      %mul3A_123 = arith.muli %scan3A_77, %mul3A_122 : i32
      %add3A_124 = arith.constant 2 : i32
      %add3A_125 = arith.addi %mul3A_123, %add3A_124 : i32
      %dma_wait3A_126 = arith.constant 0 : i32
      %dma_wait3A_127 = tpu.memref_slice %arg6[%add3A_125, %dma_wait3A_126] : memref<80x125xi32, #tpu.memory_space<vmem>> -> memref<1x125xi32, #tpu.memory_space<vmem>>
      %dma_wait3A_128 = tpu.memref_squeeze %dma_wait3A_127 : memref<1x125xi32, #tpu.memory_space<vmem>> -> memref<125xi32, #tpu.memory_space<vmem>>
      %dma_wait3A_129 = arith.constant 0 : i32
      %dma_wait3A_130 = arith.constant 0 : i32
      %dma_wait3A_131 = tpu.memref_slice %arg2[%dma_wait3A_129, %dma_wait3A_130] : memref<10000x16xf32, #tpu.memory_space<hbm>> -> memref<10000x16xf32, #tpu.memory_space<hbm>>
      tpu.wait_indirect_dma semaphore(%arg16 : memref<!tpu.dma_semaphore, #tpu.memory_space<semaphore_mem>>) src(%dma_wait3A_131 : memref<10000x16xf32, #tpu.memory_space<hbm>>) dst(%arg10 : memref<125x16xf32, #tpu.memory_space<vmem>>)
      %dma_start3A_132 = arith.constant 0 : i32
      %dma_start3A_133 = tpu.memref_slice %arg7[%add3A_125, %dma_start3A_132] : memref<80x125xi32, #tpu.memory_space<vmem>> -> memref<1x125xi32, #tpu.memory_space<vmem>>
      %dma_start3A_134 = tpu.memref_squeeze %dma_start3A_133 : memref<1x125xi32, #tpu.memory_space<vmem>> -> memref<125xi32, #tpu.memory_space<vmem>>
      %dma_start3A_135 = arith.constant 0 : i32
      %dma_start3A_136 = arith.constant 0 : i32
      %dma_start3A_137 = tpu.memref_slice %arg13[%dma_start3A_135, %dma_start3A_136] : memref<10240x16xf32, #tpu.memory_space<vmem_shared>> -> memref<10240x16xf32, #tpu.memory_space<vmem_shared>>
      tpu.enqueue_indirect_dma source(%arg10 : memref<125x16xf32, #tpu.memory_space<vmem>>) target(%dma_start3A_137 : memref<10240x16xf32, #tpu.memory_space<vmem_shared>>) offsets(%dma_start3A_134 : memref<125xi32, #tpu.memory_space<vmem>>) semaphore(%arg20 : memref<!tpu.dma_semaphore, #tpu.memory_space<semaphore_mem>>) {add = true}
      %add3A_138 = arith.constant 2 : i32
      %add3A_139 = arith.addi %add3A_125, %add3A_138 : i32
      %lt3A_140 = arith.constant 80 : i32
      %lt3A_141 = arith.cmpi slt, %add3A_139, %lt3A_140 : i32
      %convert_element_type3A_142 = arith.extui %lt3A_141 : i1 to i32
      %cond3A_143 = arith.constant 0 : i32
      %cond3A_144 = arith.cmpi ne, %convert_element_type3A_142, %cond3A_143 : i32
      scf.if %cond3A_144 {
        %ge3A = arith.constant 2 : i32
        %ge3A_169 = arith.cmpi sge, %add3A_125, %ge3A : i32
        %convert_element_type3A_170 = arith.extui %ge3A_169 : i1 to i32
        %cond3A_171 = arith.constant 0 : i32
        %cond3A_172 = arith.cmpi ne, %convert_element_type3A_170, %cond3A_171 : i32
        scf.if %cond3A_172 {
          %sub3A = arith.constant 2 : i32
          %sub3A_181 = arith.subi %add3A_125, %sub3A : i32
          %dma_wait3A_182 = arith.constant 0 : i32
          %dma_wait3A_183 = tpu.memref_slice %arg7[%sub3A_181, %dma_wait3A_182] : memref<80x125xi32, #tpu.memory_space<vmem>> -> memref<1x125xi32, #tpu.memory_space<vmem>>
          %dma_wait3A_184 = tpu.memref_squeeze %dma_wait3A_183 : memref<1x125xi32, #tpu.memory_space<vmem>> -> memref<125xi32, #tpu.memory_space<vmem>>
          %dma_wait3A_185 = arith.constant 0 : i32
          %dma_wait3A_186 = arith.constant 0 : i32
          %dma_wait3A_187 = tpu.memref_slice %arg13[%dma_wait3A_185, %dma_wait3A_186] : memref<10240x16xf32, #tpu.memory_space<vmem_shared>> -> memref<10240x16xf32, #tpu.memory_space<vmem_shared>>
          tpu.wait_indirect_dma semaphore(%arg18 : memref<!tpu.dma_semaphore, #tpu.memory_space<semaphore_mem>>) src(%arg8 : memref<125x16xf32, #tpu.memory_space<vmem>>) dst(%dma_wait3A_187 : memref<10240x16xf32, #tpu.memory_space<vmem_shared>>)
        } else {
        }
        %add3A_173 = arith.constant 2 : i32
        %add3A_174 = arith.addi %add3A_125, %add3A_173 : i32
        %dma_start3A_175 = arith.constant 0 : i32
        %dma_start3A_176 = tpu.memref_slice %arg6[%add3A_174, %dma_start3A_175] : memref<80x125xi32, #tpu.memory_space<vmem>> -> memref<1x125xi32, #tpu.memory_space<vmem>>
        %dma_start3A_177 = tpu.memref_squeeze %dma_start3A_176 : memref<1x125xi32, #tpu.memory_space<vmem>> -> memref<125xi32, #tpu.memory_space<vmem>>
        %dma_start3A_178 = arith.constant 0 : i32
        %dma_start3A_179 = arith.constant 0 : i32
        %dma_start3A_180 = tpu.memref_slice %arg2[%dma_start3A_178, %dma_start3A_179] : memref<10000x16xf32, #tpu.memory_space<hbm>> -> memref<10000x16xf32, #tpu.memory_space<hbm>>
        tpu.enqueue_indirect_dma source(%dma_start3A_180 : memref<10000x16xf32, #tpu.memory_space<hbm>>) target(%arg8 : memref<125x16xf32, #tpu.memory_space<vmem>>) offsets(%dma_start3A_177 : memref<125xi32, #tpu.memory_space<vmem>>) semaphore(%arg14 : memref<!tpu.dma_semaphore, #tpu.memory_space<semaphore_mem>>)
      } else {
      }
      %mul3A_145 = arith.constant 4 : i32
      %mul3A_146 = arith.muli %scan3A_77, %mul3A_145 : i32
      %add3A_147 = arith.constant 3 : i32
      %add3A_148 = arith.addi %mul3A_146, %add3A_147 : i32
      %dma_wait3A_149 = arith.constant 0 : i32
      %dma_wait3A_150 = tpu.memref_slice %arg6[%add3A_148, %dma_wait3A_149] : memref<80x125xi32, #tpu.memory_space<vmem>> -> memref<1x125xi32, #tpu.memory_space<vmem>>
      %dma_wait3A_151 = tpu.memref_squeeze %dma_wait3A_150 : memref<1x125xi32, #tpu.memory_space<vmem>> -> memref<125xi32, #tpu.memory_space<vmem>>
      %dma_wait3A_152 = arith.constant 0 : i32
      %dma_wait3A_153 = arith.constant 0 : i32
      %dma_wait3A_154 = tpu.memref_slice %arg2[%dma_wait3A_152, %dma_wait3A_153] : memref<10000x16xf32, #tpu.memory_space<hbm>> -> memref<10000x16xf32, #tpu.memory_space<hbm>>
      tpu.wait_indirect_dma semaphore(%arg17 : memref<!tpu.dma_semaphore, #tpu.memory_space<semaphore_mem>>) src(%dma_wait3A_154 : memref<10000x16xf32, #tpu.memory_space<hbm>>) dst(%arg11 : memref<125x16xf32, #tpu.memory_space<vmem>>)
      %dma_start3A_155 = arith.constant 0 : i32
      %dma_start3A_156 = tpu.memref_slice %arg7[%add3A_148, %dma_start3A_155] : memref<80x125xi32, #tpu.memory_space<vmem>> -> memref<1x125xi32, #tpu.memory_space<vmem>>
      %dma_start3A_157 = tpu.memref_squeeze %dma_start3A_156 : memref<1x125xi32, #tpu.memory_space<vmem>> -> memref<125xi32, #tpu.memory_space<vmem>>
      %dma_start3A_158 = arith.constant 0 : i32
      %dma_start3A_159 = arith.constant 0 : i32
      %dma_start3A_160 = tpu.memref_slice %arg13[%dma_start3A_158, %dma_start3A_159] : memref<10240x16xf32, #tpu.memory_space<vmem_shared>> -> memref<10240x16xf32, #tpu.memory_space<vmem_shared>>
      tpu.enqueue_indirect_dma source(%arg11 : memref<125x16xf32, #tpu.memory_space<vmem>>) target(%dma_start3A_160 : memref<10240x16xf32, #tpu.memory_space<vmem_shared>>) offsets(%dma_start3A_157 : memref<125xi32, #tpu.memory_space<vmem>>) semaphore(%arg21 : memref<!tpu.dma_semaphore, #tpu.memory_space<semaphore_mem>>) {add = true}
      %add3A_161 = arith.constant 2 : i32
      %add3A_162 = arith.addi %add3A_148, %add3A_161 : i32
      %lt3A_163 = arith.constant 80 : i32
      %lt3A_164 = arith.cmpi slt, %add3A_162, %lt3A_163 : i32
      %convert_element_type3A_165 = arith.extui %lt3A_164 : i1 to i32
      %cond3A_166 = arith.constant 0 : i32
      %cond3A_167 = arith.cmpi ne, %convert_element_type3A_165, %cond3A_166 : i32
      scf.if %cond3A_167 {
        %ge3A = arith.constant 2 : i32
        %ge3A_169 = arith.cmpi sge, %add3A_148, %ge3A : i32
        %convert_element_type3A_170 = arith.extui %ge3A_169 : i1 to i32
        %cond3A_171 = arith.constant 0 : i32
        %cond3A_172 = arith.cmpi ne, %convert_element_type3A_170, %cond3A_171 : i32
        scf.if %cond3A_172 {
          %sub3A = arith.constant 2 : i32
          %sub3A_181 = arith.subi %add3A_148, %sub3A : i32
          %dma_wait3A_182 = arith.constant 0 : i32
          %dma_wait3A_183 = tpu.memref_slice %arg7[%sub3A_181, %dma_wait3A_182] : memref<80x125xi32, #tpu.memory_space<vmem>> -> memref<1x125xi32, #tpu.memory_space<vmem>>
          %dma_wait3A_184 = tpu.memref_squeeze %dma_wait3A_183 : memref<1x125xi32, #tpu.memory_space<vmem>> -> memref<125xi32, #tpu.memory_space<vmem>>
          %dma_wait3A_185 = arith.constant 0 : i32
          %dma_wait3A_186 = arith.constant 0 : i32
          %dma_wait3A_187 = tpu.memref_slice %arg13[%dma_wait3A_185, %dma_wait3A_186] : memref<10240x16xf32, #tpu.memory_space<vmem_shared>> -> memref<10240x16xf32, #tpu.memory_space<vmem_shared>>
          tpu.wait_indirect_dma semaphore(%arg19 : memref<!tpu.dma_semaphore, #tpu.memory_space<semaphore_mem>>) src(%arg9 : memref<125x16xf32, #tpu.memory_space<vmem>>) dst(%dma_wait3A_187 : memref<10240x16xf32, #tpu.memory_space<vmem_shared>>)
        } else {
        }
        %add3A_173 = arith.constant 2 : i32
        %add3A_174 = arith.addi %add3A_148, %add3A_173 : i32
        %dma_start3A_175 = arith.constant 0 : i32
        %dma_start3A_176 = tpu.memref_slice %arg6[%add3A_174, %dma_start3A_175] : memref<80x125xi32, #tpu.memory_space<vmem>> -> memref<1x125xi32, #tpu.memory_space<vmem>>
        %dma_start3A_177 = tpu.memref_squeeze %dma_start3A_176 : memref<1x125xi32, #tpu.memory_space<vmem>> -> memref<125xi32, #tpu.memory_space<vmem>>
        %dma_start3A_178 = arith.constant 0 : i32
        %dma_start3A_179 = arith.constant 0 : i32
        %dma_start3A_180 = tpu.memref_slice %arg2[%dma_start3A_178, %dma_start3A_179] : memref<10000x16xf32, #tpu.memory_space<hbm>> -> memref<10000x16xf32, #tpu.memory_space<hbm>>
        tpu.enqueue_indirect_dma source(%dma_start3A_180 : memref<10000x16xf32, #tpu.memory_space<hbm>>) target(%arg9 : memref<125x16xf32, #tpu.memory_space<vmem>>) offsets(%dma_start3A_177 : memref<125xi32, #tpu.memory_space<vmem>>) semaphore(%arg15 : memref<!tpu.dma_semaphore, #tpu.memory_space<semaphore_mem>>)
      } else {
      }
      %scan3A_168 = arith.constant 0 : i32
      scf.yield %scan3A_168 : i32
    }
    %scan3A_46 = arith.constant 20 : i32
    %dma_wait3A = arith.constant 76 : i32
    %dma_wait3A_47 = arith.constant 0 : i32
    %dma_wait3A_48 = tpu.memref_slice %arg7[%dma_wait3A, %dma_wait3A_47] : memref<80x125xi32, #tpu.memory_space<vmem>> -> memref<1x125xi32, #tpu.memory_space<vmem>>
    %dma_wait3A_49 = tpu.memref_squeeze %dma_wait3A_48 : memref<1x125xi32, #tpu.memory_space<vmem>> -> memref<125xi32, #tpu.memory_space<vmem>>
    %dma_wait3A_50 = arith.constant 0 : i32
    %dma_wait3A_51 = arith.constant 0 : i32
    %dma_wait3A_52 = tpu.memref_slice %arg13[%dma_wait3A_50, %dma_wait3A_51] : memref<10240x16xf32, #tpu.memory_space<vmem_shared>> -> memref<10240x16xf32, #tpu.memory_space<vmem_shared>>
    tpu.wait_indirect_dma semaphore(%arg18 : memref<!tpu.dma_semaphore, #tpu.memory_space<semaphore_mem>>) src(%arg8 : memref<125x16xf32, #tpu.memory_space<vmem>>) dst(%dma_wait3A_52 : memref<10240x16xf32, #tpu.memory_space<vmem_shared>>)
    %dma_wait3A_53 = arith.constant 77 : i32
    %dma_wait3A_54 = arith.constant 0 : i32
    %dma_wait3A_55 = tpu.memref_slice %arg7[%dma_wait3A_53, %dma_wait3A_54] : memref<80x125xi32, #tpu.memory_space<vmem>> -> memref<1x125xi32, #tpu.memory_space<vmem>>
    %dma_wait3A_56 = tpu.memref_squeeze %dma_wait3A_55 : memref<1x125xi32, #tpu.memory_space<vmem>> -> memref<125xi32, #tpu.memory_space<vmem>>
    %dma_wait3A_57 = arith.constant 0 : i32
    %dma_wait3A_58 = arith.constant 0 : i32
    %dma_wait3A_59 = tpu.memref_slice %arg13[%dma_wait3A_57, %dma_wait3A_58] : memref<10240x16xf32, #tpu.memory_space<vmem_shared>> -> memref<10240x16xf32, #tpu.memory_space<vmem_shared>>
    tpu.wait_indirect_dma semaphore(%arg19 : memref<!tpu.dma_semaphore, #tpu.memory_space<semaphore_mem>>) src(%arg9 : memref<125x16xf32, #tpu.memory_space<vmem>>) dst(%dma_wait3A_59 : memref<10240x16xf32, #tpu.memory_space<vmem_shared>>)
    %dma_wait3A_60 = arith.constant 78 : i32
    %dma_wait3A_61 = arith.constant 0 : i32
    %dma_wait3A_62 = tpu.memref_slice %arg7[%dma_wait3A_60, %dma_wait3A_61] : memref<80x125xi32, #tpu.memory_space<vmem>> -> memref<1x125xi32, #tpu.memory_space<vmem>>
    %dma_wait3A_63 = tpu.memref_squeeze %dma_wait3A_62 : memref<1x125xi32, #tpu.memory_space<vmem>> -> memref<125xi32, #tpu.memory_space<vmem>>
    %dma_wait3A_64 = arith.constant 0 : i32
    %dma_wait3A_65 = arith.constant 0 : i32
    %dma_wait3A_66 = tpu.memref_slice %arg13[%dma_wait3A_64, %dma_wait3A_65] : memref<10240x16xf32, #tpu.memory_space<vmem_shared>> -> memref<10240x16xf32, #tpu.memory_space<vmem_shared>>
    tpu.wait_indirect_dma semaphore(%arg20 : memref<!tpu.dma_semaphore, #tpu.memory_space<semaphore_mem>>) src(%arg10 : memref<125x16xf32, #tpu.memory_space<vmem>>) dst(%dma_wait3A_66 : memref<10240x16xf32, #tpu.memory_space<vmem_shared>>)
    %dma_wait3A_67 = arith.constant 79 : i32
    %dma_wait3A_68 = arith.constant 0 : i32
    %dma_wait3A_69 = tpu.memref_slice %arg7[%dma_wait3A_67, %dma_wait3A_68] : memref<80x125xi32, #tpu.memory_space<vmem>> -> memref<1x125xi32, #tpu.memory_space<vmem>>
    %dma_wait3A_70 = tpu.memref_squeeze %dma_wait3A_69 : memref<1x125xi32, #tpu.memory_space<vmem>> -> memref<125xi32, #tpu.memory_space<vmem>>
    %dma_wait3A_71 = arith.constant 0 : i32
    %dma_wait3A_72 = arith.constant 0 : i32
    %dma_wait3A_73 = tpu.memref_slice %arg13[%dma_wait3A_71, %dma_wait3A_72] : memref<10240x16xf32, #tpu.memory_space<vmem_shared>> -> memref<10240x16xf32, #tpu.memory_space<vmem_shared>>
    tpu.wait_indirect_dma semaphore(%arg21 : memref<!tpu.dma_semaphore, #tpu.memory_space<semaphore_mem>>) src(%arg11 : memref<125x16xf32, #tpu.memory_space<vmem>>) dst(%dma_wait3A_73 : memref<10240x16xf32, #tpu.memory_space<vmem_shared>>)
    %barrier3A_74 = arith.constant 0 : index
    tpu.barrier barrier_id(%barrier3A_74)
    %mul3A_75 = arith.constant 640 : i32
    %mul3A_76 = arith.muli %arg1, %mul3A_75 : i32
    "tpu.region"() ({
      %run_scoped3A = tpu.sem_alloc : memref<!tpu.dma_semaphore, #tpu.memory_space<semaphore_mem>>
      %dma_start3A_77 = arith.constant 0 : i32
      %dma_start3A_78 = tpu.memref_slice %arg5[%arg0, %mul3A_76, %dma_start3A_77] : memref<2x10240x16xf32, #tpu.memory_space<hbm>> -> memref<1x640x16xf32, #tpu.memory_space<hbm>>
      %dma_start3A_79 = tpu.memref_squeeze %dma_start3A_78 : memref<1x640x16xf32, #tpu.memory_space<hbm>> -> memref<640x16xf32, #tpu.memory_space<hbm>>
      %dma_start3A_80 = arith.constant 0 : i32
      %dma_start3A_81 = tpu.memref_slice %arg13[%mul3A_76, %dma_start3A_80] : memref<10240x16xf32, #tpu.memory_space<vmem_shared>> -> memref<640x16xf32, #tpu.memory_space<vmem_shared>>
      tpu.enqueue_dma source(%dma_start3A_81 : memref<640x16xf32, #tpu.memory_space<vmem_shared>>) target(%dma_start3A_79 : memref<640x16xf32, #tpu.memory_space<hbm>>) target_semaphore(%run_scoped3A : memref<!tpu.dma_semaphore, #tpu.memory_space<semaphore_mem>>)
      %dma_wait3A_82 = arith.constant 0 : i32
      %dma_wait3A_83 = tpu.memref_slice %arg5[%arg0, %mul3A_76, %dma_wait3A_82] : memref<2x10240x16xf32, #tpu.memory_space<hbm>> -> memref<1x640x16xf32, #tpu.memory_space<hbm>>
      %dma_wait3A_84 = tpu.memref_squeeze %dma_wait3A_83 : memref<1x640x16xf32, #tpu.memory_space<hbm>> -> memref<640x16xf32, #tpu.memory_space<hbm>>
      %dma_wait3A_85 = arith.constant 0 : i32
      %dma_wait3A_86 = tpu.memref_slice %arg13[%mul3A_76, %dma_wait3A_85] : memref<10240x16xf32, #tpu.memory_space<vmem_shared>> -> memref<640x16xf32, #tpu.memory_space<vmem_shared>>
      tpu.wait_dma2 semaphore(%run_scoped3A : memref<!tpu.dma_semaphore, #tpu.memory_space<semaphore_mem>>) src(%dma_wait3A_86 : memref<640x16xf32, #tpu.memory_space<vmem_shared>>) dst(%dma_wait3A_84 : memref<640x16xf32, #tpu.memory_space<hbm>>)
      tpu.yield
    }) : () -> ()
    return
  }
}

module attributes {stable_mosaic.version = 14 : i64} {
  func.func @_tc1_body(%arg0: memref<1256x1024xf32, #tpu.memory_space<vmem>>, %arg1: memref<1024x128xf32, #tpu.memory_space<vmem>>, %arg2: memref<32x8x1280xf32, #tpu.memory_space<vmem>>, %arg3: memref<1250x128xf32, #tpu.memory_space<vmem>>, %arg4: memref<1250x128xf32, #tpu.memory_space<vmem>>) attributes {dimension_semantics = [], scalar_prefetch = 0 : i64, scratch_operands = 0 : i64, tpu.core_type = #tpu.core_type<tc>} {
    %get3A = arith.constant 0 : index
    %get3A_0 = arith.constant 0 : index
    %get3A_1 = arith.constant 0 : index
    %get3A_2 = vector.load %arg2[%get3A, %get3A_0, %get3A_1] : memref<32x8x1280xf32, #tpu.memory_space<vmem>>, vector<32x8x1280xf32>
    %reduce_sum3A = arith.constant dense<0.000000e+00> : vector<8x1280xf32>
    %reduce_sum3A_3 = vector.multi_reduction <add>, %get3A_2, %reduce_sum3A [0] : vector<32x8x1280xf32> to vector<8x1280xf32>
    %add3A = arith.constant 1.000000e+00 : f32
    %add3A_4 = vector.broadcast %add3A : f32 to vector<8x1280xf32>
    %add3A_5 = arith.addf %reduce_sum3A_3, %add3A_4 : vector<8x1280xf32>
    %rsqrt3A = math.rsqrt %add3A_5 : vector<8x1280xf32>
    %iota3A = tpu.iota {dimensions = array<i32: 0>} : vector<8x128xi32>
    %iota3A_6 = tpu.iota {dimensions = array<i32: 1>} : vector<8x128xi32>
    %jit3A = arith.constant 16 : i32
    %div3A = vector.broadcast %jit3A : i32 to vector<8x128xi32>
    %div3A_7 = arith.divsi %iota3A_6, %div3A : vector<8x128xi32>
    %sign3A = arith.constant 0 : i32
    %sign3A_8 = vector.broadcast %sign3A : i32 to vector<8x128xi32>
    %sign3A_9 = arith.cmpi sgt, %iota3A_6, %sign3A_8 : vector<8x128xi32>
    %sign3A_10 = arith.extui %sign3A_9 : vector<8x128xi1> to vector<8x128xi32>
    %sign3A_11 = arith.constant 0 : i32
    %sign3A_12 = vector.broadcast %sign3A_11 : i32 to vector<8x128xi32>
    %sign3A_13 = arith.cmpi slt, %iota3A_6, %sign3A_12 : vector<8x128xi32>
    %sign3A_14 = arith.extui %sign3A_13 : vector<8x128xi1> to vector<8x128xi32>
    %sign3A_15 = arith.subi %sign3A_10, %sign3A_14 : vector<8x128xi32>
    %sign3A_16 = arith.constant 0 : i32
    %sign3A_17 = arith.cmpi sgt, %jit3A, %sign3A_16 : i32
    %sign3A_18 = arith.extui %sign3A_17 : i1 to i32
    %sign3A_19 = arith.constant 0 : i32
    %sign3A_20 = arith.cmpi slt, %jit3A, %sign3A_19 : i32
    %sign3A_21 = arith.extui %sign3A_20 : i1 to i32
    %sign3A_22 = arith.subi %sign3A_18, %sign3A_21 : i32
    %ne3A = vector.broadcast %sign3A_22 : i32 to vector<8x128xi32>
    %ne3A_23 = arith.cmpi ne, %sign3A_15, %ne3A : vector<8x128xi32>
    %rem3A = vector.broadcast %jit3A : i32 to vector<8x128xi32>
    %rem3A_24 = arith.remsi %iota3A_6, %rem3A : vector<8x128xi32>
    %ne3A_25 = arith.constant 0 : i32
    %ne3A_26 = vector.broadcast %ne3A_25 : i32 to vector<8x128xi32>
    %ne3A_27 = arith.cmpi ne, %rem3A_24, %ne3A_26 : vector<8x128xi32>
    %and3A = arith.andi %ne3A_23, %ne3A_27 : vector<8x128xi1>
    %sub3A = arith.constant 1 : i32
    %sub3A_28 = vector.broadcast %sub3A : i32 to vector<8x128xi32>
    %sub3A_29 = arith.subi %div3A_7, %sub3A_28 : vector<8x128xi32>
    %select_n3A = arith.select %and3A, %sub3A_29, %div3A_7 : vector<8x128xi1>, vector<8x128xi32>
    %eq3A = arith.cmpi eq, %select_n3A, %iota3A : vector<8x128xi32>
    %jit3A_30 = arith.constant 1.000000e+00 : f32
    %jit3A_31 = arith.constant 0.000000e+00 : f32
    %broadcast_in_dim3A = vector.broadcast %jit3A_30 : f32 to vector<8x128xf32>
    %broadcast_in_dim3A_32 = vector.broadcast %jit3A_31 : f32 to vector<8x128xf32>
    %select_n3A_33 = arith.select %eq3A, %broadcast_in_dim3A, %broadcast_in_dim3A_32 : vector<8x128xi1>, vector<8x128xf32>
    %dot_general3A = arith.constant dense<0.000000e+00> : vector<1280x128xf32>
    %dot_general3A_34 = tpu.matmul %rsqrt3A, %select_n3A_33, %dot_general3A {dimension_numbers = #tpu.dot_dimension_numbers<[0], [0], [1], [1], [0, 1, 1, 1], [], []>, transpose_lhs_hint = false} : vector<8x1280xf32>, vector<8x128xf32>, vector<1280x128xf32> -> vector<1280x128xf32>
    %slice3A = vector.extract_strided_slice %dot_general3A_34 {offsets = [0, 0], sizes = [1250, 128], strides = [1, 1]} : vector<1280x128xf32> to vector<1250x128xf32>
    %get3A_35 = arith.constant 0 : index
    %get3A_36 = arith.constant 0 : index
    %get3A_37 = vector.load %arg0[%get3A_35, %get3A_36] : memref<1256x1024xf32, #tpu.memory_space<vmem>>, vector<1256x1024xf32>
    %get3A_38 = arith.constant 0 : index
    %get3A_39 = arith.constant 0 : index
    %get3A_40 = vector.load %arg1[%get3A_38, %get3A_39] : memref<1024x128xf32, #tpu.memory_space<vmem>>, vector<1024x128xf32>
    %dot_general3A_41 = arith.constant dense<0.000000e+00> : vector<1256x128xf32>
    %dot_general3A_42 = tpu.matmul %get3A_37, %get3A_40, %dot_general3A_41 {dimension_numbers = #tpu.dot_dimension_numbers<[1], [0], [0], [1], [0, 0, 1, 1], [], []>, transpose_lhs_hint = false} : vector<1256x1024xf32>, vector<1024x128xf32>, vector<1256x128xf32> -> vector<1256x128xf32>
    %slice3A_43 = vector.extract_strided_slice %dot_general3A_42 {offsets = [0, 0], sizes = [1250, 128], strides = [1, 1]} : vector<1256x128xf32> to vector<1250x128xf32>
    %mul3A = arith.mulf %slice3A_43, %slice3A : vector<1250x128xf32>
    %swap3A = arith.constant 0 : index
    %swap3A_44 = arith.constant 0 : index
    %swap3A_45 = vector.load %arg3[%swap3A, %swap3A_44] : memref<1250x128xf32, #tpu.memory_space<vmem>>, vector<1250x128xf32>
    tpu.vector_store %arg3[%swap3A, %swap3A_44], %mul3A {strides = array<i32>} : memref<1250x128xf32, #tpu.memory_space<vmem>>, vector<1250x128xf32>,
    %swap3A_46 = arith.constant 0 : index
    %swap3A_47 = arith.constant 0 : index
    %swap3A_48 = vector.load %arg4[%swap3A_46, %swap3A_47] : memref<1250x128xf32, #tpu.memory_space<vmem>>, vector<1250x128xf32>
    tpu.vector_store %arg4[%swap3A_46, %swap3A_47], %slice3A {strides = array<i32>} : memref<1250x128xf32, #tpu.memory_space<vmem>>, vector<1250x128xf32>,
    return
  }
}

module attributes {stable_mosaic.version = 14 : i64} {
  func.func @_tc2_body(%arg0: memref<2x1280x128xf32, #tpu.memory_space<vmem>>, %arg1: memref<1250x128xf32, #tpu.memory_space<vmem>>, %arg2: memref<1250x128xf32, #tpu.memory_space<vmem>>, %arg3: memref<128xf32, #tpu.memory_space<vmem>>, %arg4: memref<1250x128xf32, #tpu.memory_space<vmem>>) attributes {dimension_semantics = [], scalar_prefetch = 0 : i64, scratch_operands = 0 : i64, tpu.core_type = #tpu.core_type<tc>} {
    %get3A = arith.constant 0 : index
    %get3A_0 = arith.constant 0 : index
    %get3A_1 = arith.constant 0 : index
    %get3A_2 = vector.load %arg0[%get3A, %get3A_0, %get3A_1] : memref<2x1280x128xf32, #tpu.memory_space<vmem>>, vector<1x1250x128xf32>
    %get3A_3 = vector.shape_cast %get3A_2 : vector<1x1250x128xf32> to vector<1250x128xf32>
    %get3A_4 = arith.constant 1 : index
    %get3A_5 = arith.constant 0 : index
    %get3A_6 = arith.constant 0 : index
    %get3A_7 = vector.load %arg0[%get3A_4, %get3A_5, %get3A_6] : memref<2x1280x128xf32, #tpu.memory_space<vmem>>, vector<1x1250x128xf32>
    %get3A_8 = vector.shape_cast %get3A_7 : vector<1x1250x128xf32> to vector<1250x128xf32>
    %add3A = arith.addf %get3A_3, %get3A_8 : vector<1250x128xf32>
    %get3A_9 = arith.constant 0 : index
    %get3A_10 = arith.constant 0 : index
    %get3A_11 = vector.load %arg1[%get3A_9, %get3A_10] : memref<1250x128xf32, #tpu.memory_space<vmem>>, vector<1250x128xf32>
    %add3A_12 = arith.addf %add3A, %get3A_11 : vector<1250x128xf32>
    %get3A_13 = arith.constant 0 : index
    %get3A_14 = arith.constant 0 : index
    %get3A_15 = vector.load %arg2[%get3A_13, %get3A_14] : memref<1250x128xf32, #tpu.memory_space<vmem>>, vector<1250x128xf32>
    %mul3A = arith.mulf %add3A_12, %get3A_15 : vector<1250x128xf32>
    %get3A_16 = arith.constant 0 : index
    %get3A_17 = vector.load %arg3[%get3A_16] : memref<128xf32, #tpu.memory_space<vmem>>, vector<128xf32>
    %broadcast_in_dim3A = vector.shape_cast %get3A_17 : vector<128xf32> to vector<1x128xf32>
    %add3A_18 = vector.broadcast %broadcast_in_dim3A : vector<1x128xf32> to vector<1250x128xf32>
    %add3A_19 = arith.addf %mul3A, %add3A_18 : vector<1250x128xf32>
    %max3A = arith.constant 0.000000e+00 : f32
    %max3A_20 = vector.broadcast %max3A : f32 to vector<1250x128xf32>
    %max3A_21 = arith.maximumf %add3A_19, %max3A_20 : vector<1250x128xf32>
    %mul3A_22 = arith.mulf %max3A_21, %get3A_15 : vector<1250x128xf32>
    %swap3A = arith.constant 0 : index
    %swap3A_23 = arith.constant 0 : index
    %swap3A_24 = vector.load %arg4[%swap3A, %swap3A_23] : memref<1250x128xf32, #tpu.memory_space<vmem>>, vector<1250x128xf32>
    tpu.vector_store %arg4[%swap3A, %swap3A_23], %mul3A_22 {strides = array<i32>} : memref<1250x128xf32, #tpu.memory_space<vmem>>, vector<1250x128xf32>,
    return
  }
}

module attributes {stable_mosaic.version = 14 : i64} {
  func.func @_tc3_body(%arg0: memref<2x1280x128xf32, #tpu.memory_space<vmem>>, %arg1: memref<1250x128xf32, #tpu.memory_space<vmem>>, %arg2: memref<1250x128xf32, #tpu.memory_space<vmem>>, %arg3: memref<128x320xf32, #tpu.memory_space<vmem>>, %arg4: memref<320xf32, #tpu.memory_space<vmem>>, %arg5: memref<1250x320xf32, #tpu.memory_space<vmem>>) attributes {dimension_semantics = [], scalar_prefetch = 0 : i64, scratch_operands = 0 : i64, tpu.core_type = #tpu.core_type<tc>} {
    %get3A = arith.constant 0 : index
    %get3A_0 = arith.constant 0 : index
    %get3A_1 = arith.constant 0 : index
    %get3A_2 = vector.load %arg0[%get3A, %get3A_0, %get3A_1] : memref<2x1280x128xf32, #tpu.memory_space<vmem>>, vector<1x1250x128xf32>
    %get3A_3 = vector.shape_cast %get3A_2 : vector<1x1250x128xf32> to vector<1250x128xf32>
    %get3A_4 = arith.constant 1 : index
    %get3A_5 = arith.constant 0 : index
    %get3A_6 = arith.constant 0 : index
    %get3A_7 = vector.load %arg0[%get3A_4, %get3A_5, %get3A_6] : memref<2x1280x128xf32, #tpu.memory_space<vmem>>, vector<1x1250x128xf32>
    %get3A_8 = vector.shape_cast %get3A_7 : vector<1x1250x128xf32> to vector<1250x128xf32>
    %add3A = arith.addf %get3A_3, %get3A_8 : vector<1250x128xf32>
    %get3A_9 = arith.constant 0 : index
    %get3A_10 = arith.constant 0 : index
    %get3A_11 = vector.load %arg1[%get3A_9, %get3A_10] : memref<1250x128xf32, #tpu.memory_space<vmem>>, vector<1250x128xf32>
    %add3A_12 = arith.addf %add3A, %get3A_11 : vector<1250x128xf32>
    %get3A_13 = arith.constant 0 : index
    %get3A_14 = arith.constant 0 : index
    %get3A_15 = vector.load %arg2[%get3A_13, %get3A_14] : memref<1250x128xf32, #tpu.memory_space<vmem>>, vector<1250x128xf32>
    %mul3A = arith.mulf %add3A_12, %get3A_15 : vector<1250x128xf32>
    %get3A_16 = arith.constant 0 : index
    %get3A_17 = arith.constant 0 : index
    %get3A_18 = vector.load %arg3[%get3A_16, %get3A_17] : memref<128x320xf32, #tpu.memory_space<vmem>>, vector<128x320xf32>
    %dot_general3A = arith.constant dense<0.000000e+00> : vector<1250x320xf32>
    %dot_general3A_19 = tpu.matmul %mul3A, %get3A_18, %dot_general3A {dimension_numbers = #tpu.dot_dimension_numbers<[1], [0], [0], [1], [0, 0, 1, 1], [], []>, transpose_lhs_hint = false} : vector<1250x128xf32>, vector<128x320xf32>, vector<1250x320xf32> -> vector<1250x320xf32>
    %get3A_20 = arith.constant 0 : index
    %get3A_21 = vector.load %arg4[%get3A_20] : memref<320xf32, #tpu.memory_space<vmem>>, vector<320xf32>
    %broadcast_in_dim3A = vector.shape_cast %get3A_21 : vector<320xf32> to vector<1x320xf32>
    %add3A_22 = vector.broadcast %broadcast_in_dim3A : vector<1x320xf32> to vector<1250x320xf32>
    %add3A_23 = arith.addf %dot_general3A_19, %add3A_22 : vector<1250x320xf32>
    %slice3A = vector.extract_strided_slice %add3A_23 {offsets = [0, 0], sizes = [1250, 40], strides = [1, 1]} : vector<1250x320xf32> to vector<1250x40xf32>
    %reduce_max3A = arith.constant dense<0xFF800000> : vector<1250xf32>
    %reduce_max3A_24 = vector.multi_reduction <maximumf>, %slice3A, %reduce_max3A [1] : vector<1250x40xf32> to vector<1250xf32>
    %broadcast_in_dim3A_25 = vector.shape_cast %reduce_max3A_24 : vector<1250xf32> to vector<1250x1xf32>
    %broadcast_in_dim3A_26 = vector.shape_cast %broadcast_in_dim3A_25 : vector<1250x1xf32> to vector<1250x1xf32>
    %broadcast_in_dim3A_27 = vector.broadcast %broadcast_in_dim3A_26 : vector<1250x1xf32> to vector<1250x40xf32>
    %slice3A_28 = vector.extract_strided_slice %add3A_23 {offsets = [0, 40], sizes = [1250, 40], strides = [1, 1]} : vector<1250x320xf32> to vector<1250x40xf32>
    %reduce_max3A_29 = arith.constant dense<0xFF800000> : vector<1250xf32>
    %reduce_max3A_30 = vector.multi_reduction <maximumf>, %slice3A_28, %reduce_max3A_29 [1] : vector<1250x40xf32> to vector<1250xf32>
    %broadcast_in_dim3A_31 = vector.shape_cast %reduce_max3A_30 : vector<1250xf32> to vector<1250x1xf32>
    %broadcast_in_dim3A_32 = vector.shape_cast %broadcast_in_dim3A_31 : vector<1250x1xf32> to vector<1250x1xf32>
    %broadcast_in_dim3A_33 = vector.broadcast %broadcast_in_dim3A_32 : vector<1250x1xf32> to vector<1250x40xf32>
    %slice3A_34 = vector.extract_strided_slice %add3A_23 {offsets = [0, 80], sizes = [1250, 40], strides = [1, 1]} : vector<1250x320xf32> to vector<1250x40xf32>
    %reduce_max3A_35 = arith.constant dense<0xFF800000> : vector<1250xf32>
    %reduce_max3A_36 = vector.multi_reduction <maximumf>, %slice3A_34, %reduce_max3A_35 [1] : vector<1250x40xf32> to vector<1250xf32>
    %broadcast_in_dim3A_37 = vector.shape_cast %reduce_max3A_36 : vector<1250xf32> to vector<1250x1xf32>
    %broadcast_in_dim3A_38 = vector.shape_cast %broadcast_in_dim3A_37 : vector<1250x1xf32> to vector<1250x1xf32>
    %broadcast_in_dim3A_39 = vector.broadcast %broadcast_in_dim3A_38 : vector<1250x1xf32> to vector<1250x40xf32>
    %slice3A_40 = vector.extract_strided_slice %add3A_23 {offsets = [0, 120], sizes = [1250, 40], strides = [1, 1]} : vector<1250x320xf32> to vector<1250x40xf32>
    %reduce_max3A_41 = arith.constant dense<0xFF800000> : vector<1250xf32>
    %reduce_max3A_42 = vector.multi_reduction <maximumf>, %slice3A_40, %reduce_max3A_41 [1] : vector<1250x40xf32> to vector<1250xf32>
    %broadcast_in_dim3A_43 = vector.shape_cast %reduce_max3A_42 : vector<1250xf32> to vector<1250x1xf32>
    %broadcast_in_dim3A_44 = vector.shape_cast %broadcast_in_dim3A_43 : vector<1250x1xf32> to vector<1250x1xf32>
    %broadcast_in_dim3A_45 = vector.broadcast %broadcast_in_dim3A_44 : vector<1250x1xf32> to vector<1250x40xf32>
    %slice3A_46 = vector.extract_strided_slice %add3A_23 {offsets = [0, 160], sizes = [1250, 40], strides = [1, 1]} : vector<1250x320xf32> to vector<1250x40xf32>
    %reduce_max3A_47 = arith.constant dense<0xFF800000> : vector<1250xf32>
    %reduce_max3A_48 = vector.multi_reduction <maximumf>, %slice3A_46, %reduce_max3A_47 [1] : vector<1250x40xf32> to vector<1250xf32>
    %broadcast_in_dim3A_49 = vector.shape_cast %reduce_max3A_48 : vector<1250xf32> to vector<1250x1xf32>
    %broadcast_in_dim3A_50 = vector.shape_cast %broadcast_in_dim3A_49 : vector<1250x1xf32> to vector<1250x1xf32>
    %broadcast_in_dim3A_51 = vector.broadcast %broadcast_in_dim3A_50 : vector<1250x1xf32> to vector<1250x40xf32>
    %slice3A_52 = vector.extract_strided_slice %add3A_23 {offsets = [0, 200], sizes = [1250, 40], strides = [1, 1]} : vector<1250x320xf32> to vector<1250x40xf32>
    %reduce_max3A_53 = arith.constant dense<0xFF800000> : vector<1250xf32>
    %reduce_max3A_54 = vector.multi_reduction <maximumf>, %slice3A_52, %reduce_max3A_53 [1] : vector<1250x40xf32> to vector<1250xf32>
    %broadcast_in_dim3A_55 = vector.shape_cast %reduce_max3A_54 : vector<1250xf32> to vector<1250x1xf32>
    %broadcast_in_dim3A_56 = vector.shape_cast %broadcast_in_dim3A_55 : vector<1250x1xf32> to vector<1250x1xf32>
    %broadcast_in_dim3A_57 = vector.broadcast %broadcast_in_dim3A_56 : vector<1250x1xf32> to vector<1250x40xf32>
    %slice3A_58 = vector.extract_strided_slice %add3A_23 {offsets = [0, 240], sizes = [1250, 40], strides = [1, 1]} : vector<1250x320xf32> to vector<1250x40xf32>
    %reduce_max3A_59 = arith.constant dense<0xFF800000> : vector<1250xf32>
    %reduce_max3A_60 = vector.multi_reduction <maximumf>, %slice3A_58, %reduce_max3A_59 [1] : vector<1250x40xf32> to vector<1250xf32>
    %broadcast_in_dim3A_61 = vector.shape_cast %reduce_max3A_60 : vector<1250xf32> to vector<1250x1xf32>
    %broadcast_in_dim3A_62 = vector.shape_cast %broadcast_in_dim3A_61 : vector<1250x1xf32> to vector<1250x1xf32>
    %broadcast_in_dim3A_63 = vector.broadcast %broadcast_in_dim3A_62 : vector<1250x1xf32> to vector<1250x40xf32>
    %slice3A_64 = vector.extract_strided_slice %add3A_23 {offsets = [0, 280], sizes = [1250, 40], strides = [1, 1]} : vector<1250x320xf32> to vector<1250x40xf32>
    %reduce_max3A_65 = arith.constant dense<0xFF800000> : vector<1250xf32>
    %reduce_max3A_66 = vector.multi_reduction <maximumf>, %slice3A_64, %reduce_max3A_65 [1] : vector<1250x40xf32> to vector<1250xf32>
    %broadcast_in_dim3A_67 = vector.shape_cast %reduce_max3A_66 : vector<1250xf32> to vector<1250x1xf32>
    %broadcast_in_dim3A_68 = vector.shape_cast %broadcast_in_dim3A_67 : vector<1250x1xf32> to vector<1250x1xf32>
    %broadcast_in_dim3A_69 = vector.broadcast %broadcast_in_dim3A_68 : vector<1250x1xf32> to vector<1250x40xf32>
    %concatenate3A = tpu.concatenate %broadcast_in_dim3A_27, %broadcast_in_dim3A_33, %broadcast_in_dim3A_39, %broadcast_in_dim3A_45, %broadcast_in_dim3A_51, %broadcast_in_dim3A_57, %broadcast_in_dim3A_63, %broadcast_in_dim3A_69 in 1 : vector<1250x40xf32>, vector<1250x40xf32>, vector<1250x40xf32>, vector<1250x40xf32>, vector<1250x40xf32>, vector<1250x40xf32>, vector<1250x40xf32>, vector<1250x40xf32> -> vector<1250x320xf32>
    %sub3A = arith.subf %add3A_23, %concatenate3A : vector<1250x320xf32>
    %exp3A = math.exp %sub3A : vector<1250x320xf32>
    %slice3A_70 = vector.extract_strided_slice %exp3A {offsets = [0, 0], sizes = [1250, 40], strides = [1, 1]} : vector<1250x320xf32> to vector<1250x40xf32>
    %reduce_sum3A = arith.constant dense<0.000000e+00> : vector<1250xf32>
    %reduce_sum3A_71 = vector.multi_reduction <add>, %slice3A_70, %reduce_sum3A [1] : vector<1250x40xf32> to vector<1250xf32>
    %broadcast_in_dim3A_72 = vector.shape_cast %reduce_sum3A_71 : vector<1250xf32> to vector<1250x1xf32>
    %log3A = math.log %broadcast_in_dim3A_72 : vector<1250x1xf32>
    %broadcast_in_dim3A_73 = vector.shape_cast %log3A : vector<1250x1xf32> to vector<1250x1xf32>
    %broadcast_in_dim3A_74 = vector.broadcast %broadcast_in_dim3A_73 : vector<1250x1xf32> to vector<1250x40xf32>
    %slice3A_75 = vector.extract_strided_slice %exp3A {offsets = [0, 40], sizes = [1250, 40], strides = [1, 1]} : vector<1250x320xf32> to vector<1250x40xf32>
    %reduce_sum3A_76 = arith.constant dense<0.000000e+00> : vector<1250xf32>
    %reduce_sum3A_77 = vector.multi_reduction <add>, %slice3A_75, %reduce_sum3A_76 [1] : vector<1250x40xf32> to vector<1250xf32>
    %broadcast_in_dim3A_78 = vector.shape_cast %reduce_sum3A_77 : vector<1250xf32> to vector<1250x1xf32>
    %log3A_79 = math.log %broadcast_in_dim3A_78 : vector<1250x1xf32>
    %broadcast_in_dim3A_80 = vector.shape_cast %log3A_79 : vector<1250x1xf32> to vector<1250x1xf32>
    %broadcast_in_dim3A_81 = vector.broadcast %broadcast_in_dim3A_80 : vector<1250x1xf32> to vector<1250x40xf32>
    %slice3A_82 = vector.extract_strided_slice %exp3A {offsets = [0, 80], sizes = [1250, 40], strides = [1, 1]} : vector<1250x320xf32> to vector<1250x40xf32>
    %reduce_sum3A_83 = arith.constant dense<0.000000e+00> : vector<1250xf32>
    %reduce_sum3A_84 = vector.multi_reduction <add>, %slice3A_82, %reduce_sum3A_83 [1] : vector<1250x40xf32> to vector<1250xf32>
    %broadcast_in_dim3A_85 = vector.shape_cast %reduce_sum3A_84 : vector<1250xf32> to vector<1250x1xf32>
    %log3A_86 = math.log %broadcast_in_dim3A_85 : vector<1250x1xf32>
    %broadcast_in_dim3A_87 = vector.shape_cast %log3A_86 : vector<1250x1xf32> to vector<1250x1xf32>
    %broadcast_in_dim3A_88 = vector.broadcast %broadcast_in_dim3A_87 : vector<1250x1xf32> to vector<1250x40xf32>
    %slice3A_89 = vector.extract_strided_slice %exp3A {offsets = [0, 120], sizes = [1250, 40], strides = [1, 1]} : vector<1250x320xf32> to vector<1250x40xf32>
    %reduce_sum3A_90 = arith.constant dense<0.000000e+00> : vector<1250xf32>
    %reduce_sum3A_91 = vector.multi_reduction <add>, %slice3A_89, %reduce_sum3A_90 [1] : vector<1250x40xf32> to vector<1250xf32>
    %broadcast_in_dim3A_92 = vector.shape_cast %reduce_sum3A_91 : vector<1250xf32> to vector<1250x1xf32>
    %log3A_93 = math.log %broadcast_in_dim3A_92 : vector<1250x1xf32>
    %broadcast_in_dim3A_94 = vector.shape_cast %log3A_93 : vector<1250x1xf32> to vector<1250x1xf32>
    %broadcast_in_dim3A_95 = vector.broadcast %broadcast_in_dim3A_94 : vector<1250x1xf32> to vector<1250x40xf32>
    %slice3A_96 = vector.extract_strided_slice %exp3A {offsets = [0, 160], sizes = [1250, 40], strides = [1, 1]} : vector<1250x320xf32> to vector<1250x40xf32>
    %reduce_sum3A_97 = arith.constant dense<0.000000e+00> : vector<1250xf32>
    %reduce_sum3A_98 = vector.multi_reduction <add>, %slice3A_96, %reduce_sum3A_97 [1] : vector<1250x40xf32> to vector<1250xf32>
    %broadcast_in_dim3A_99 = vector.shape_cast %reduce_sum3A_98 : vector<1250xf32> to vector<1250x1xf32>
    %log3A_100 = math.log %broadcast_in_dim3A_99 : vector<1250x1xf32>
    %broadcast_in_dim3A_101 = vector.shape_cast %log3A_100 : vector<1250x1xf32> to vector<1250x1xf32>
    %broadcast_in_dim3A_102 = vector.broadcast %broadcast_in_dim3A_101 : vector<1250x1xf32> to vector<1250x40xf32>
    %slice3A_103 = vector.extract_strided_slice %exp3A {offsets = [0, 200], sizes = [1250, 40], strides = [1, 1]} : vector<1250x320xf32> to vector<1250x40xf32>
    %reduce_sum3A_104 = arith.constant dense<0.000000e+00> : vector<1250xf32>
    %reduce_sum3A_105 = vector.multi_reduction <add>, %slice3A_103, %reduce_sum3A_104 [1] : vector<1250x40xf32> to vector<1250xf32>
    %broadcast_in_dim3A_106 = vector.shape_cast %reduce_sum3A_105 : vector<1250xf32> to vector<1250x1xf32>
    %log3A_107 = math.log %broadcast_in_dim3A_106 : vector<1250x1xf32>
    %broadcast_in_dim3A_108 = vector.shape_cast %log3A_107 : vector<1250x1xf32> to vector<1250x1xf32>
    %broadcast_in_dim3A_109 = vector.broadcast %broadcast_in_dim3A_108 : vector<1250x1xf32> to vector<1250x40xf32>
    %slice3A_110 = vector.extract_strided_slice %exp3A {offsets = [0, 240], sizes = [1250, 40], strides = [1, 1]} : vector<1250x320xf32> to vector<1250x40xf32>
    %reduce_sum3A_111 = arith.constant dense<0.000000e+00> : vector<1250xf32>
    %reduce_sum3A_112 = vector.multi_reduction <add>, %slice3A_110, %reduce_sum3A_111 [1] : vector<1250x40xf32> to vector<1250xf32>
    %broadcast_in_dim3A_113 = vector.shape_cast %reduce_sum3A_112 : vector<1250xf32> to vector<1250x1xf32>
    %log3A_114 = math.log %broadcast_in_dim3A_113 : vector<1250x1xf32>
    %broadcast_in_dim3A_115 = vector.shape_cast %log3A_114 : vector<1250x1xf32> to vector<1250x1xf32>
    %broadcast_in_dim3A_116 = vector.broadcast %broadcast_in_dim3A_115 : vector<1250x1xf32> to vector<1250x40xf32>
    %slice3A_117 = vector.extract_strided_slice %exp3A {offsets = [0, 280], sizes = [1250, 40], strides = [1, 1]} : vector<1250x320xf32> to vector<1250x40xf32>
    %reduce_sum3A_118 = arith.constant dense<0.000000e+00> : vector<1250xf32>
    %reduce_sum3A_119 = vector.multi_reduction <add>, %slice3A_117, %reduce_sum3A_118 [1] : vector<1250x40xf32> to vector<1250xf32>
    %broadcast_in_dim3A_120 = vector.shape_cast %reduce_sum3A_119 : vector<1250xf32> to vector<1250x1xf32>
    %log3A_121 = math.log %broadcast_in_dim3A_120 : vector<1250x1xf32>
    %broadcast_in_dim3A_122 = vector.shape_cast %log3A_121 : vector<1250x1xf32> to vector<1250x1xf32>
    %broadcast_in_dim3A_123 = vector.broadcast %broadcast_in_dim3A_122 : vector<1250x1xf32> to vector<1250x40xf32>
    %concatenate3A_124 = tpu.concatenate %broadcast_in_dim3A_74, %broadcast_in_dim3A_81, %broadcast_in_dim3A_88, %broadcast_in_dim3A_95, %broadcast_in_dim3A_102, %broadcast_in_dim3A_109, %broadcast_in_dim3A_116, %broadcast_in_dim3A_123 in 1 : vector<1250x40xf32>, vector<1250x40xf32>, vector<1250x40xf32>, vector<1250x40xf32>, vector<1250x40xf32>, vector<1250x40xf32>, vector<1250x40xf32>, vector<1250x40xf32> -> vector<1250x320xf32>
    %sub3A_125 = arith.subf %add3A_23, %concatenate3A : vector<1250x320xf32>
    %sub3A_126 = arith.subf %sub3A_125, %concatenate3A_124 : vector<1250x320xf32>
    %swap3A = arith.constant 0 : index
    %swap3A_127 = arith.constant 0 : index
    %swap3A_128 = vector.load %arg5[%swap3A, %swap3A_127] : memref<1250x320xf32, #tpu.memory_space<vmem>>, vector<1250x320xf32>
    tpu.vector_store %arg5[%swap3A, %swap3A_127], %sub3A_126 {strides = array<i32>} : memref<1250x320xf32, #tpu.memory_space<vmem>>, vector<1250x320xf32>,
    return
  }
}

</mosaic_0001>

<sc_bundles>
// kernel: kernel.11.cloned.1.call-start
scs
__scs_entry_jumppad:
0x0: {  	(pc) =	sbr.rel $0x88, $3  }
0x1: {  	(tag) =	ssettag $0x0;
	lr =	simm.s32 $0x1  }
0x2: {  	[smem:$0x3F9B] =	sst lr;
	_ =	strace $0xD0000000  }
0x3: {  	_ = 	snop  }
0x4: {  	_ = 	snop  }
0x5: {  	_ = 	snop  }
0x6: {  	_ = 	snop  }
0x7: {  	_ = 	snop  }
__scs_overlays_trampoline_lowered:
0x8: {  	[smem:$0x3FAA] =	sst s0  }
0x9: {  	[smem:$0x3FAB] =	sst s1  }
0xa: {  	[smem:$0x3FAC] =	sst s2  }
0xb: {  	[smem:$0x3FAD] =	sst s3  }
0xc: {  	[smem:$0x3FAE] =	sst s4  }
0xd: {  	[smem:$0x3FAF] =	sst s5  }
0xe: {  	[smem:$0x3FB0] =	sst s6  }
0xf: {  	[smem:$0x3FB1] =	sst s7  }
0x10: {  	[smem:$0x3FB2] =	sst s8  }
0x11: {  	[smem:$0x3FB3] =	sst s9;
	s0 =	simm.s32 @!p0 $0x0  }
0x12: {  	s1 =	sld [smem:$0x3F99];
	s0 =	simm.s32 @p0 $0x1  }
0x13: {  	[smem:$0x3FB4] =	sst s0;
	s0 =	simm.s32 @!p1 $0x0  }
0x14: {  	s2 =	sld [smem:$0x3F98];
	s0 =	simm.s32 @p1 $0x1  }
0x15: {  	[smem:$0x3FB5] =	sst s0;
	s0 =	simm.s32 @!p2 $0x0  }
0x16: {  	s3 =	sld [smem:$0x3FDB];
	s0 =	simm.s32 @p2 $0x1  }
0x17: {  	s4 =	simm.s32 $0x1BF5;
	[smem:$0x3FB7] =	sst s0  }
0x18: {  	s0 =	sld [smem:$0x3F9A];
	_ =	swait.ge [sflag:s4], $0x0  }
0x19: {  	s7 =	sld [smem:$0x3F9B]  }
0x1a: {  	s8 =	sadd.s32 $0xFFFFE003, lr  }
0x1b: {  	s9 =	sadd.s32 $0xFFFFFEF7, lr;
	s5 =	simm.s32 $0xFFFFFFFF;
	p2 =	slt.u32 s8, $0xFFFFF086  }
0x1c: {  	p1 =	slt.u32 s9, $0xF7A;
	s5 =	simm.s32 @!p2 $0x0  }
0x1d: {  	s5 =	simm.s32 @p1 $0x1;
	p0 =	seq.s32 s7, s2  }
0x1e: {  	s7 =	smul.u32 @!p0 $0xF7A, s2;
	p2 =	seq.s32 @!p0 s5, $0x0  }
0x1f: {  	s9 =	smul.u32 $0xF7A, s1;
	s8 =	simm.s32 @!p0 $0x1BF5;
	p2 =	por !p2, p0  }
0x20: {  	[sflag:s8] =	ssyncset.s32 @!p0 $0xFFFFF086;
	s6 =	sadd.s32 @!p0 s3, s7;
	s7 =	simm.s32 @!p0 $0x108  }
0x21: {  	s3 =	sadd.s32 s3, s9;
	s6 =	sadd.s32 @!p0 $0x88, s6;
	s7 =	simm.s32 @p2 $0x1082  }
0x22: {  	[simem:s7], [sflag:s8] =	dma.local @!p0 [hbm:s6], $0xF7A  }
0x23: {  	s9 =	sor.u32 $0xD0000000, s2;
	s6 =	simm.s32 $0x108;
	_ =	swait.ge @!p0 [sflag:s8], $0x0  }
0x24: {  	s3 =	sadd.s32 $0x88, s3;
	s6 =	simm.s32 @!p1 $0x1082;
	[sflag:s4] =	ssyncset.s32 $0xFFFFF086  }
0x25: {  	[simem:s6], [sflag:s4] =	dma.local [hbm:s3], $0xF7A  }
0x26: {  	[smem:$0x3F9B] =	sst s1;
	(tag) =	ssettag s2;
	_ =	strace s9  }
0x27: {  	s1 =	sld [smem:$0x3FAB]  }
0x28: {  	s2 =	sld [smem:$0x3FAC]  }
0x29: {  	s4 =	sld [smem:$0x3FAE]  }
0x2a: {  	p0 =	seq.s32 s5, $0x0;
	s5 =	sld [smem:$0x3FAF]  }
0x2b: {  	s6 =	sld [smem:$0x3FB0]  }
0x2c: {  	s7 =	sld [smem:$0x3FB1]  }
0x2d: {  	s3 =	simm.s32 $0x108;
	s8 =	sld [smem:$0x3FB2]  }
0x2e: {  	s3 =	simm.s32 @!p0 $0x1082;
	s9 =	sld [smem:$0x3FB3]  }
0x2f: {  	lr =	sadd.s32 s0, s3;
	s0 =	sld [smem:$0x3FAA]  }
0x30: {  	s3 =	sld [smem:$0x3FAD]  }
0x31: {  	[smem:$0x3FB6] =	sst s10  }
0x32: {  	s10 =	sld [smem:$0x3FB4];
	_ =	sdelay $0x3  }
0x33: {  	p0 =	seq.s32 s10, $0x1;
	s10 =	sld [smem:$0x3FB6];
	_ =	sdelay $0x3  }
0x34: {  	[smem:$0x3FB6] =	sst s10  }
0x35: {  	s10 =	sld [smem:$0x3FB5];
	_ =	sdelay $0x3  }
0x36: {  	p1 =	seq.s32 s10, $0x1;
	s10 =	sld [smem:$0x3FB6];
	_ =	sdelay $0x3  }
0x37: {  	[smem:$0x3FB6] =	sst s10  }
0x38: {  	s10 =	sld [smem:$0x3FB7]  }
0x39: {  	_ = 	snop;
	(pc) =	sbr.ind lr, $3  }
0x3a: {  	_ = 	snop  }
0x3b: {  	_ = 	snop  }
0x3c: {  	p2 =	seq.s32 s10, $0x1;
	s10 =	sld [smem:$0x3FB6]  }
0x3d: {  	_ =	shalt  }
0x3e: {  	_ =	shalt  }
0x3f: {  	_ =	shalt  }
0x40: {  	_ =	shalt  }
0x41: {  	_ =	shalt  }
0x42: {  	_ =	shalt  }
0x43: {  	_ =	shalt  }
0x44: {  	_ =	shalt  }
0x45: {  	_ =	shalt  }
0x46: {  	_ =	shalt  }
0x47: {  	_ =	shalt  }
0x48: {  	_ =	shalt  }
0x49: {  	_ =	shalt  }
0x4a: {  	_ =	shalt  }
0x4b: {  	_ =	shalt  }
0x4c: {  	_ =	shalt  }
0x4d: {  	_ =	shalt  }
0x4e: {  	_ =	shalt  }
0x4f: {  	_ =	shalt  }
0x50: {  	_ =	shalt  }
0x51: {  	_ =	shalt  }
0x52: {  	_ =	shalt  }
0x53: {  	_ =	shalt  }
0x54: {  	_ =	shalt  }
0x55: {  	_ =	shalt  }
0x56: {  	_ =	shalt  }
0x57: {  	_ =	shalt  }
0x58: {  	_ =	shalt  }
0x59: {  	_ =	shalt  }
0x5a: {  	_ =	shalt  }
0x5b: {  	_ =	shalt  }
0x5c: {  	_ =	shalt  }
0x5d: {  	_ =	shalt  }
0x5e: {  	_ =	shalt  }
0x5f: {  	_ =	shalt  }
0x60: {  	_ =	shalt  }
0x61: {  	_ =	shalt  }
0x62: {  	_ =	shalt  }
0x63: {  	_ =	shalt  }
0x64: {  	_ =	shalt  }
0x65: {  	_ =	shalt  }
0x66: {  	_ =	shalt  }
0x67: {  	_ =	shalt  }
0x68: {  	_ =	shalt  }
0x69: {  	_ =	shalt  }
0x6a: {  	_ =	shalt  }
0x6b: {  	_ =	shalt  }
0x6c: {  	_ =	shalt  }
0x6d: {  	_ =	shalt  }
0x6e: {  	_ =	shalt  }
0x6f: {  	_ =	shalt  }
0x70: {  	_ =	shalt  }
0x71: {  	_ =	shalt  }
0x72: {  	_ =	shalt  }
0x73: {  	_ =	shalt  }
0x74: {  	_ =	shalt  }
0x75: {  	_ =	shalt  }
0x76: {  	_ =	shalt  }
0x77: {  	_ =	shalt  }
0x78: {  	_ =	shalt  }
0x79: {  	_ =	shalt  }
0x7a: {  	_ =	shalt  }
0x7b: {  	_ =	shalt  }
0x7c: {  	_ =	shalt  }
0x7d: {  	_ =	shalt  }
0x7e: {  	_ =	shalt  }
0x7f: {  	_ =	shalt  }
0x80: {  	_ =	shalt  }
0x81: {  	_ =	shalt  }
0x82: {  	_ =	shalt  }
0x83: {  	_ =	shalt  }
0x84: {  	_ =	shalt  }
0x85: {  	_ =	shalt  }
0x86: {  	_ =	shalt  }
0x87: {  	_ =	shalt  }
.Lfunc_end0:
.L_simem_size_0:
called_computation.1_lowered:
.L_overlay_start_0:
0x88: {  	s2 =	sld [smem:$0x3FD9]  }
0x89: {  	s3 =	sld [smem:$0x3FFE];
	_ =	sdelay $0x1  }
0x8a: {  	s1 =	srdreg.scid  }
0x8b: {  	s0 =	sand.u32 $0x1, s1  }
0x8c: {  	s17 =	sshll.u32 s0, $0xA;
	s2 =	sadd.s32 s3, s2  }
0x8d: {  	s2 =	sadd.s32 s2, s17  }
0x8e: {  	[smem:$0x3FC2] =	sst s2  }
0x8f: {  	_ = 	snop  }
0x90: {  	s2 =	sld [smem:$0x3FD0];
	(tm) =	ssettm $0x1  }
0x91: {  	s18 =	sld [smem:$0x3FFB];
	_ =	sdelay $0x3  }
0x92: {  	_ =	strace s18  }
0x93: {  	s3 =	sld [smem:$0x3FFC];
	_ =	sdelay $0x3  }
0x94: {  	_ =	strace s3  }
0x95: {  	s3 =	sld [smem:$0x3FFD];
	_ =	sdelay $0x3  }
0x96: {  	_ =	strace s3  }
0x97: {  	_ =	strace $0x8FFFFFFF  }
0x98: {  	s19 =	sld [smem:$0x3FDB];
	_ =	sdelay $0x1  }
0x99: {  	s4 =	simm.s32 $_scs_section_size  }
0x9a: {  	s5 =	simm.s32 $_size__tile_overlayer_lowered;
	s6 =	simm.s32 $_tile_overlayer_lowered  }
0x9b: {  	s22 =	simm.s32 $0x1BFF;
	s21 =	sshll.u32 s6, $0x1;
	s3 =	sadd.s32 s4, s19  }
0x9c: {  	s7 =	simm.s32 $0x0;
	s20 =	sshll.u32 s5, $0x1;
	s5 =	sadd.s32 s21, s3  }
0x9d: {  	[timem:s7], [sflag:s22] =	dma.local [hbm:s5], s20  }
0x9e: {  	_ =	swait.ge [sflag:s22], s20  }
0x9f: {  	s4 =	ssub.s32 $0x0, s20;
	[sflag:s22] =	ssyncset.done $0x0  }
0xa0: {  	[sflag:s22] =	ssyncadd.s32 s4;
	_ =	sdelay $0x1  }
0xa1: {  	s23 =	simm.s32 $0x1B8B  }
0xa2: {  	_ =	swait.ge [sflag:s23], $0x1  }
0xa3: {  	[sflag:s23] =	ssyncset.done $0x0  }
0xa4: {  	s25 =	simm.s32 $0x1B8E;
	s24 =	sld [smem:$0x3FFE];
	[sflag:s23] =	ssyncadd.s32 $0xFFFFFFFF  }
0xa5: {  	s26 =	simm.s32 $execute0_lowered;
	[smem:$0x3FD2] =	sst s25  }
0xa6: {  	s5 =	sshll.u32 s26, $0x1;
	_ =	strace $0x80000049;
	[dreg:$0x1] =	wrdreg $0xFFFFFFFF  }
0xa7: {  	s28 =	simm.s32 $_size_execute0_lowered;
	s3 =	sadd.s32 s3, s5;
	[dreg:$0x0] =	wrdreg $0x0  }
0xa8: {  	s5 =	sshll.u32 s28, $0x1;
	[dreg:$0x2] =	wrdreg s3  }
0xa9: {  	[dreg:$0x3] =	wrdreg s5  }
0xaa: {  	[dreg:$0x4] =	wrdreg $0xC0  }
0xab: {  	_ =	task [dreg:s7], $0x5FFFF  }
0xac: {  	[dreg:$0x1] =	wrdreg $0xFFFFFFFF  }
0xad: {  	[dreg:$0x0] =	wrdreg $0x60  }
0xae: {  	[dreg:$0x2] =	wrdreg s24  }
0xaf: {  	[dreg:$0x3] =	wrdreg s2  }
0xb0: {  	[dreg:$0x4] =	wrdreg $0x77400  }
0xb1: {  	[dreg:$0x5] =	wrdreg $0x9  }
0xb2: {  	_ =	task.clear_ibuf [dreg:s7], $0x6FFFF;
	_ =	strace $0x90000049  }
0xb3: {  	s29 =	simm.s32 $0x9;
	_ =	strace $0x8000004B  }
0xb4: {  	_ =	swait.ge [sflag:s29], $0x1  }
0xb5: {  	[sflag:s29] =	ssyncadd.s32 $0xFFFFFFFF  }
0xb6: {  	_ =	strace $0x9000004B  }
0xb7: {  	_ =	sfence  }
0xb8: {  	s30 =	sld [smem:$0x0];
	_ =	sdelay $0x2  }
0xb9: {  	s31 =	sshll.u32 s1, $0xD;
	s1 =	sshrl.u32 s1, $0x2  }
0xba: {  	s3 =	sand.u32 $0x4000, s31;
	s1 =	sadd.s32 s1, s30  }
0xbb: {  	s0 =	sor.u32 s3, s0;
	s1 =	sshll.u32 s1, $0x11  }
0xbc: {  	s0 =	sor.u32 s1, s0  }
0xbd: {  	s0 =	sadd.s32 $0x8F2B, s0  }
0xbe: {  	[sflag:s0] =	ssyncadd.remote.s32 $0x1  }
0xbf: {  	_ =	sfence.sel $0xFFFF  }
0xc0: {  	[dreg:$0x0] =	wrdreg $0xFFFFFFFF;
	(pc) =	sbr.abs _section_cstart, $3  }
0xc1: {  	[dreg:$0x1] =	wrdreg $0xFFFFFFFF  }
0xc2: {  	_ =	task.clear_ibuf [dreg:s7], $0x2FFFF;
	_ =	strace $0x9FFFFFFF  }
0xc3: {  	(tm) =	ssettm $0x7FFFFFFF  }
tec
execute0_lowered:
.L_overlay_start_1:
0x0: {  	(tag) =	ssettag $0x1  }
0x1: {  	s0 =	rddreg [dreg:$0x0]  }
0x2: {  	s1 =	rddreg [dreg:$0x1]  }
0x3: {  	s2 =	rddreg [dreg:$0x2]  }
0x4: {  	s3 =	srdreg.scid;
	s8 =	stileid.u32  }
0x5: {  	s5 =	simm.s32 $0x0;
	s14 =	simm.s32 $0x9;
	s15 =	simm.s32 $0x2800  }
0x6: {  	s16 =	simm.s32 $0x6F40;
	s17 =	simm.s32 $0x7D;
	s18 =	simm.s32 $0x5000  }
0x7: {  	s20 =	simm.s32 $0x57D0;
	s21 =	simm.s32 $0x1;
	s23 =	simm.s32 $0x5FA0  }
0x8: {  	s28 =	simm.s32 $0x6770;
	s29 =	simm.s32 $0x3;
	s31 =	simm.s32 $0x5  }
0x9: {  	s22 =	simm.s32 $0x6;
	s30 =	simm.s32 $0x8;
	s3 =	sand.u32 $0x1, s3  }
0xa: {  	s7 =	smul.u32 $0x2800, s8;
	[smem:$0x7FF] =	sst s5;
	s4 =	sshll.u32 s3, $0x4  }
0xb: {  	s24 =	smul.u32 $0x28000, s3;
	_ =	strace $0x8000004A;
	s3 =	ssub.s32 $0x2, s3  }
0xc: {  	s4 =	sor.u32 s8, s4;
	s8 =	smul.u32 $0xA000, s8;
	s25 =	sshrl.u32 s3, $0x1  }
0xd: {  	s6 =	smul.u32 $0x500, s4;
	s4 =	sadd.s32 $0x2400, s0;
	s5 =	sadd.s32 s7, s24  }
0xe: {  	s3 =	ssub.s32 s3, s25;
	s7 =	sadd.s32 s7, s2;
	s24 =	simm.s32 $0x2  }
0xf: {  	s5 =	sshrl.u32 s5, $0x3;
	s8 =	sshrl.u32 s8, $0x2;
	s13 =	smax.u32 s3, $0x1  }
.Ltmp0:
0x10: {  	s9 =	sadd.s32 s6, s0;
	s1 =	sadd.s32 s1, s6;
	(pc) =	sbr.rel .LBB2_1-.Ltmp0, $4  }
0x11: {  	s0 =	sadd.s32 s5, s0;
	s26 =	sadd.s32 s8, s2;
	[dreg:$0x4] =	wrdreg s1  }
0x12: {  	s6 =	sadd.s32 $0x16200, s9;
	s8 =	sadd.s32 $0x800, s26;
	s9 =	sadd.s32 $0x1000, s26  }
0x13: {  	s10 =	sadd.s32 $0x1800, s26;
	s11 =	sadd.s32 $0x2000, s26;
	s12 =	sadd.s32 $0x7400, s0  }
0x14: {  	v0 =	vimm.f32 $0.0e+00;
	s1 =	simm.s32 $0x4;
	s26 =	simm.s32 $0x7;
	s0 =	simm.s32 $0x0  }
.LBB2_6:
0x15: {  	_ =	swait.ge [sflag:s1], $0x7D0  }
0x16: {  	[sflag:s1] =	ssyncset.done $0x0  }
0x17: {  	[sflag:s1] =	ssyncadd.s32 $0xFFFFF830  }
0x18: {  	[spmem:s2] =	stream.indirect.scatter.add.f32 [tilespmem:s28], [sflag:$0x8], $0x10, s3, s17, $0xb8;
	[tilespmem:$0x9F40] =	vst v63  }
0x19: {  	_ =	swait.ge [sflag:s31], $0x7D0  }
0x1a: {  	[sflag:s31] =	ssyncset.done $0x0  }
0x1b: {  	[sflag:s31] =	ssyncadd.s32 $0xFFFFF830  }
0x1c: {  	_ =	swait.ge [sflag:s22], $0x7D0  }
0x1d: {  	[sflag:s22] =	ssyncset.done $0x0  }
0x1e: {  	[sflag:s22] =	ssyncadd.s32 $0xFFFFF830  }
0x1f: {  	_ =	swait.ge [sflag:s26], $0x7D0  }
0x20: {  	[sflag:s26] =	ssyncset.done $0x0  }
0x21: {  	[sflag:s26] =	ssyncadd.s32 $0xFFFFF830  }
0x22: {  	s25 =	stileid.u32;
	_ =	swait.ge [sflag:s30], $0x7D0  }
0x23: {  	s5 =	sshrl.u32 s7, $0x3;
	s0 =	sadd.s32 $0x1, s0;
	[sflag:s30] =	ssyncset.done $0x0  }
0x24: {  	p0 =	sne.s32 s0, s13;
	s3 =	sshll.u32 s25, $0x6;
	[sflag:s30] =	ssyncadd.s32 $0xFFFFF830  }
.Ltmp1:
0x25: {  	s3 =	sor.u32 $0x1C09, s3;
	[bflag:$0x0] =	sbarrier.arrive $0xFFFF;
	(pc) =	sbr.rel @!p0 .LBB2_7-.Ltmp1, $4  }
0x26: {  	[hbm:s12], [sflag:s3] =	dma.local [spmem:s5], $0x500  }
0x27: {  	_ =	swait.ge [sflag:s14], $0x500  }
0x28: {  	[sflag:s14] =	ssyncset.done $0x0  }
0x29: {  	[sflag:s14] =	ssyncadd.s32 $0xFFFFFB00  }
.LBB2_1:
0x2a: {  	s3 =	simm.s32 $0x0;
	s5 =	rddreg [dreg:$0x4]  }
0x2b: {  	[tilespmem:s3], [sflag:$0x9] =	stream.linear.gather [hbm4b:s5+s3], $0x2800, $0x38;
	[tilespmem:$0x9F40] =	vst v63  }
0x2c: {  	_ =	swait.ge [sflag:s14], $0x2800  }
0x2d: {  	[sflag:s14] =	ssyncset.done $0x0  }
0x2e: {  	[sflag:s14] =	ssyncadd.s32 $0xFFFFD800  }
0x2f: {  	[tilespmem:s15], [sflag:$0x9] =	stream.linear.gather [hbm4b:s6+s3], $0x2800, $0x38;
	[tilespmem:$0x9F40] =	vst v63  }
0x30: {  	_ =	swait.ge [sflag:s14], $0x2800  }
0x31: {  	[sflag:s14] =	ssyncset.done $0x0  }
0x32: {  	s19 =	simm.s32 $0x0;
	s3 =	simm.s32 $0x40;
	[sflag:s14] =	ssyncadd.s32 $0xFFFFD800  }
.LBB2_2:
0x33: {  	p0 =	sne.s32 s3, $0x1FC0;
	[tilespmem:s19+$0x6F40] =	vst v0;
	s19 =	smov.u32 s3;
	s3 =	sadd.s32 $0x40, s3  }
.Ltmp2:
0x34: {  	(pc) =	sbr.rel @p0 .LBB2_2-.Ltmp2, $2  }
0x35: {  	_ =	sdelay $0x2  }
0x36: {  	s19 =	sshra.s32 s19, $0x2  }
0x37: {  	[tilespmem:s19+$0x6F40] =	vst v0  }
0x38: {  	[spmem:s7] =	stream.linear.scatter [tilespmem:s16], [sflag:$0x9], $0x800, $0x38;
	[tilespmem:$0x9F40] =	vst v63  }
0x39: {  	_ =	swait.ge [sflag:s14], $0x800  }
0x3a: {  	[sflag:s14] =	ssyncset.done $0x0  }
0x3b: {  	[sflag:s14] =	ssyncadd.s32 $0xFFFFF800  }
0x3c: {  	[spmem:s8] =	stream.linear.scatter [tilespmem:s16], [sflag:$0x9], $0x800, $0x38;
	[tilespmem:$0x9F40] =	vst v63  }
0x3d: {  	_ =	swait.ge [sflag:s14], $0x800  }
0x3e: {  	[sflag:s14] =	ssyncset.done $0x0  }
0x3f: {  	[sflag:s14] =	ssyncadd.s32 $0xFFFFF800  }
0x40: {  	[spmem:s9] =	stream.linear.scatter [tilespmem:s16], [sflag:$0x9], $0x800, $0x38;
	[tilespmem:$0x9F40] =	vst v63  }
0x41: {  	_ =	swait.ge [sflag:s14], $0x800  }
0x42: {  	[sflag:s14] =	ssyncset.done $0x0  }
0x43: {  	[sflag:s14] =	ssyncadd.s32 $0xFFFFF800  }
0x44: {  	[spmem:s10] =	stream.linear.scatter [tilespmem:s16], [sflag:$0x9], $0x800, $0x38;
	[tilespmem:$0x9F40] =	vst v63  }
0x45: {  	_ =	swait.ge [sflag:s14], $0x800  }
0x46: {  	[sflag:s14] =	ssyncset.done $0x0  }
0x47: {  	[sflag:s14] =	ssyncadd.s32 $0xFFFFF800  }
0x48: {  	[spmem:s11] =	stream.linear.scatter [tilespmem:s16], [sflag:$0x9], $0x800, $0x38;
	[tilespmem:$0x9F40] =	vst v63  }
0x49: {  	_ =	swait.ge [sflag:s14], $0x800  }
0x4a: {  	[sflag:s14] =	ssyncset.done $0x0  }
0x4b: {  	[sflag:s14] =	ssyncadd.s32 $0xFFFFF800  }
0x4c: {  	s19 =	simm.s32 $0x0;
	[bflag:$0x0] =	sbarrier.arrive $0xFFFF  }
0x4d: {  	[tilespmem:s18], [sflag:$0x1] =	stream.indirect.gather [hbm4b:s4+s17], $0x10, s19, s17, $0xb8;
	[tilespmem:$0x9F40] =	vst v63  }
0x4e: {  	s3 =	simm.s32 $0x80  }
0x4f: {  	[tilespmem:s20], [sflag:$0x2] =	stream.indirect.gather [hbm4b:s4+s17], $0x10, s3, s17, $0xb8;
	[tilespmem:$0x9F40] =	vst v63  }
0x50: {  	_ =	swait.ge [sflag:s21], $0x7D0  }
0x51: {  	[sflag:s21] =	ssyncset.done $0x0  }
0x52: {  	[sflag:s21] =	ssyncadd.s32 $0xFFFFF830  }
0x53: {  	[spmem:s2] =	stream.indirect.scatter.add.f32 [tilespmem:s18], [sflag:$0x5], $0x10, s15, s17, $0xb8;
	[tilespmem:$0x9F40] =	vst v63  }
0x54: {  	s25 =	simm.s32 $0x100  }
0x55: {  	[tilespmem:s23], [sflag:$0x3] =	stream.indirect.gather [hbm4b:s4+s17], $0x10, s25, s17, $0xb8;
	[tilespmem:$0x9F40] =	vst v63  }
0x56: {  	_ =	swait.ge [sflag:s24], $0x7D0  }
0x57: {  	[sflag:s24] =	ssyncset.done $0x0  }
0x58: {  	s5 =	simm.s32 $0x2880;
	[sflag:s24] =	ssyncadd.s32 $0xFFFFF830  }
0x59: {  	[spmem:s2] =	stream.indirect.scatter.add.f32 [tilespmem:s20], [sflag:$0x6], $0x10, s5, s17, $0xb8;
	[tilespmem:$0x9F40] =	vst v63  }
0x5a: {  	s25 =	simm.s32 $0x180  }
0x5b: {  	[tilespmem:s28], [sflag:$0x4] =	stream.indirect.gather [hbm4b:s4+s17], $0x10, s25, s17, $0xb8;
	[tilespmem:$0x9F40] =	vst v63  }
0x5c: {  	_ =	swait.ge [sflag:s29], $0x7D0  }
0x5d: {  	[sflag:s29] =	ssyncset.done $0x0  }
0x5e: {  	s5 =	simm.s32 $0x2900;
	[sflag:s29] =	ssyncadd.s32 $0xFFFFF830  }
0x5f: {  	[spmem:s2] =	stream.indirect.scatter.add.f32 [tilespmem:s23], [sflag:$0x7], $0x10, s5, s17, $0xb8;
	[tilespmem:$0x9F40] =	vst v63  }
0x60: {  	_ =	swait.ge [sflag:s31], $0x7D0  }
0x61: {  	[sflag:s31] =	ssyncset.done $0x0  }
0x62: {  	s25 =	simm.s32 $0x200;
	[sflag:s31] =	ssyncadd.s32 $0xFFFFF830  }
0x63: {  	[tilespmem:s18], [sflag:$0x1] =	stream.indirect.gather [hbm4b:s4+s17], $0x10, s25, s17, $0xb8;
	[tilespmem:$0x9F40] =	vst v63  }
0x64: {  	_ =	swait.ge [sflag:s1], $0x7D0  }
0x65: {  	[sflag:s1] =	ssyncset.done $0x0  }
0x66: {  	s5 =	simm.s32 $0x2980;
	[sflag:s1] =	ssyncadd.s32 $0xFFFFF830  }
0x67: {  	[spmem:s2] =	stream.indirect.scatter.add.f32 [tilespmem:s28], [sflag:$0x8], $0x10, s5, s17, $0xb8;
	[tilespmem:$0x9F40] =	vst v63  }
0x68: {  	_ =	swait.ge [sflag:s22], $0x7D0  }
0x69: {  	[sflag:s22] =	ssyncset.done $0x0  }
0x6a: {  	s25 =	simm.s32 $0x280;
	[sflag:s22] =	ssyncadd.s32 $0xFFFFF830  }
0x6b: {  	[tilespmem:s20], [sflag:$0x2] =	stream.indirect.gather [hbm4b:s4+s17], $0x10, s25, s17, $0xb8;
	[tilespmem:$0x9F40] =	vst v63  }
.LBB2_4:
0x6c: {  	_ =	swait.ge [sflag:s21], $0x7D0  }
0x6d: {  	s25 =	sshra.s32 s19, $0x2;
	[sflag:s21] =	ssyncset.done $0x0  }
0x6e: {  	s3 =	sadd.s32 $0x2A00, s25;
	[sflag:s21] =	ssyncadd.s32 $0xFFFFF830  }
0x6f: {  	[spmem:s2] =	stream.indirect.scatter.add.f32 [tilespmem:s18], [sflag:$0x5], $0x10, s3, s17, $0xb8;
	[tilespmem:$0x9F40] =	vst v63  }
0x70: {  	_ =	swait.ge [sflag:s26], $0x7D0  }
0x71: {  	[sflag:s26] =	ssyncset.done $0x0  }
0x72: {  	s5 =	sadd.s32 $0x300, s25;
	[sflag:s26] =	ssyncadd.s32 $0xFFFFF830  }
0x73: {  	[tilespmem:s23], [sflag:$0x3] =	stream.indirect.gather [hbm4b:s4+s17], $0x10, s5, s17, $0xb8;
	[tilespmem:$0x9F40] =	vst v63  }
0x74: {  	_ =	swait.ge [sflag:s24], $0x7D0  }
0x75: {  	[sflag:s24] =	ssyncset.done $0x0  }
0x76: {  	s5 =	sadd.s32 $0x2A80, s25;
	[sflag:s24] =	ssyncadd.s32 $0xFFFFF830  }
0x77: {  	[spmem:s2] =	stream.indirect.scatter.add.f32 [tilespmem:s20], [sflag:$0x6], $0x10, s5, s17, $0xb8;
	[tilespmem:$0x9F40] =	vst v63  }
0x78: {  	_ =	swait.ge [sflag:s30], $0x7D0  }
0x79: {  	[sflag:s30] =	ssyncset.done $0x0  }
0x7a: {  	p0 =	seq.s32 s19, $0x9000;
	s5 =	sadd.s32 $0x380, s25;
	[sflag:s30] =	ssyncadd.s32 $0xFFFFF830  }
0x7b: {  	[tilespmem:s28], [sflag:$0x4] =	stream.indirect.gather [hbm4b:s4+s17], $0x10, s5, s17, $0xb8;
	[tilespmem:$0x9F40] =	vst v63  }
.Ltmp3:
0x7c: {  	_ = 	snop;
	(pc) =	sbr.rel @p0 .LBB2_6-.Ltmp3, $4  }
0x7d: {  	_ =	swait.ge [sflag:s29], $0x7D0  }
0x7e: {  	[sflag:s29] =	ssyncset.done $0x0  }
0x7f: {  	s3 =	sadd.s32 $0x2B80, s25;
	s5 =	sadd.s32 $0x2B00, s25;
	[sflag:s29] =	ssyncadd.s32 $0xFFFFF830  }
0x80: {  	[spmem:s2] =	stream.indirect.scatter.add.f32 [tilespmem:s23], [sflag:$0x7], $0x10, s5, s17, $0xb8;
	[tilespmem:$0x9F40] =	vst v63  }
0x81: {  	_ =	swait.ge [sflag:s31], $0x7D0  }
0x82: {  	[sflag:s31] =	ssyncset.done $0x0  }
0x83: {  	s5 =	sadd.s32 $0x400, s25;
	[sflag:s31] =	ssyncadd.s32 $0xFFFFF830  }
0x84: {  	[tilespmem:s18], [sflag:$0x1] =	stream.indirect.gather [hbm4b:s4+s17], $0x10, s5, s17, $0xb8;
	[tilespmem:$0x9F40] =	vst v63  }
0x85: {  	_ =	swait.ge [sflag:s1], $0x7D0  }
0x86: {  	[sflag:s1] =	ssyncset.done $0x0  }
0x87: {  	[sflag:s1] =	ssyncadd.s32 $0xFFFFF830  }
0x88: {  	[spmem:s2] =	stream.indirect.scatter.add.f32 [tilespmem:s28], [sflag:$0x8], $0x10, s3, s17, $0xb8;
	[tilespmem:$0x9F40] =	vst v63  }
.Ltmp4:
0x89: {  	_ = 	snop;
	(pc) =	sbr.rel .LBB2_4-.Ltmp4, $4  }
0x8a: {  	_ =	swait.ge [sflag:s22], $0x7D0  }
0x8b: {  	[sflag:s22] =	ssyncset.done $0x0  }
0x8c: {  	s25 =	sadd.s32 $0x480, s25;
	s19 =	sadd.s32 $0x800, s19;
	[sflag:s22] =	ssyncadd.s32 $0xFFFFF830  }
0x8d: {  	[tilespmem:s20], [sflag:$0x2] =	stream.indirect.gather [hbm4b:s4+s17], $0x10, s25, s17, $0xb8;
	[tilespmem:$0x9F40] =	vst v63  }
.LBB2_7:
0x8e: {  	_ =	sfence.sel $0x180000  }
0x8f: {  	[bflag:$0x0] =	sbarrier.arrive $0xFFFF  }
0x90: {  	_ =	strace $0x9000004A  }
0x91: {  	s0 =	stileid.u32;
	[bflag:$0x2] =	sbarrier.arrive $0xFFFF  }
0x92: {  	p0 =	sne.s32 s0, $0x0;
	s0 =	rddreg [dreg:$0x3]  }
0x93: {  	s0 =	sadd.s32 @!p0 $0x100000, s0  }
0x94: {  	[sflag:s0] =	ssyncadd.tile.s32 @!p0 $0x1;
	_ =	shalt  }
.Lfunc_end2:
_tile_overlayer_lowered:
.L_overlay_start_2:
0x95: {  	(tag) =	ssettag $0x2  }
0x96: {  	s0 =	rddreg [dreg:$0x0];
	s2 =	stileid.u32  }
0x97: {  	s1 =	rddreg [dreg:$0x1];
	p0 =	sne.s32 s2, $0x0  }
0x98: {  	s3 =	rddreg [dreg:$0x2];
	[bflag:$0x3] =	sbarrier.arrive $0xFFFF;
	s2 =	simm.s32 @!p0 $0x1C09  }
0x99: {  	[timem:s3], [sflag:s2] =	dma.local @!p0 [hbm:s0], s1  }
0x9a: {  	s0 =	simm.s32 @!p0 $0x9  }
0x9b: {  	_ =	swait.ge @!p0 [sflag:s0], s1  }
0x9c: {  	s1 =	ssub.s32 @!p0 $0x0, s1;
	[sflag:s0] =	ssyncset.done @!p0 $0x0  }
0x9d: {  	[sflag:s0] =	ssyncadd.s32 @!p0 s1  }
0x9e: {  	[bflag:$0x3] =	sbarrier.arrive $0xFFFF  }
0x9f: {  	_ =	shalt  }

// kernel: kernel.14.cloned.1.call-start
scs
__scs_entry_jumppad:
0x0: {  	(pc) =	sbr.rel $0x88, $3  }
0x1: {  	(tag) =	ssettag $0x0;
	lr =	simm.s32 $0x1  }
0x2: {  	[smem:$0x3F9B] =	sst lr;
	_ =	strace $0xD0000000  }
0x3: {  	_ = 	snop  }
0x4: {  	_ = 	snop  }
0x5: {  	_ = 	snop  }
0x6: {  	_ = 	snop  }
0x7: {  	_ = 	snop  }
__scs_overlays_trampoline_lowered:
0x8: {  	[smem:$0x3FAA] =	sst s0  }
0x9: {  	[smem:$0x3FAB] =	sst s1  }
0xa: {  	[smem:$0x3FAC] =	sst s2  }
0xb: {  	[smem:$0x3FAD] =	sst s3  }
0xc: {  	[smem:$0x3FAE] =	sst s4  }
0xd: {  	[smem:$0x3FAF] =	sst s5  }
0xe: {  	[smem:$0x3FB0] =	sst s6  }
0xf: {  	[smem:$0x3FB1] =	sst s7  }
0x10: {  	[smem:$0x3FB2] =	sst s8  }
0x11: {  	[smem:$0x3FB3] =	sst s9;
	s0 =	simm.s32 @!p0 $0x0  }
0x12: {  	s1 =	sld [smem:$0x3F99];
	s0 =	simm.s32 @p0 $0x1  }
0x13: {  	[smem:$0x3FB4] =	sst s0;
	s0 =	simm.s32 @!p1 $0x0  }
0x14: {  	s2 =	sld [smem:$0x3F98];
	s0 =	simm.s32 @p1 $0x1  }
0x15: {  	[smem:$0x3FB5] =	sst s0;
	s0 =	simm.s32 @!p2 $0x0  }
0x16: {  	s3 =	sld [smem:$0x3FDB];
	s0 =	simm.s32 @p2 $0x1  }
0x17: {  	s4 =	simm.s32 $0x1BF5;
	[smem:$0x3FB7] =	sst s0  }
0x18: {  	s0 =	sld [smem:$0x3F9A];
	_ =	swait.ge [sflag:s4], $0x0  }
0x19: {  	s7 =	sld [smem:$0x3F9B]  }
0x1a: {  	s8 =	sadd.s32 $0xFFFFE003, lr  }
0x1b: {  	s9 =	sadd.s32 $0xFFFFFEF7, lr;
	s5 =	simm.s32 $0xFFFFFFFF;
	p2 =	slt.u32 s8, $0xFFFFF086  }
0x1c: {  	p1 =	slt.u32 s9, $0xF7A;
	s5 =	simm.s32 @!p2 $0x0  }
0x1d: {  	s5 =	simm.s32 @p1 $0x1;
	p0 =	seq.s32 s7, s2  }
0x1e: {  	s7 =	smul.u32 @!p0 $0xF7A, s2;
	p2 =	seq.s32 @!p0 s5, $0x0  }
0x1f: {  	s9 =	smul.u32 $0xF7A, s1;
	s8 =	simm.s32 @!p0 $0x1BF5;
	p2 =	por !p2, p0  }
0x20: {  	[sflag:s8] =	ssyncset.s32 @!p0 $0xFFFFF086;
	s6 =	sadd.s32 @!p0 s3, s7;
	s7 =	simm.s32 @!p0 $0x108  }
0x21: {  	s3 =	sadd.s32 s3, s9;
	s6 =	sadd.s32 @!p0 $0x88, s6;
	s7 =	simm.s32 @p2 $0x1082  }
0x22: {  	[simem:s7], [sflag:s8] =	dma.local @!p0 [hbm:s6], $0xF7A  }
0x23: {  	s9 =	sor.u32 $0xD0000000, s2;
	s6 =	simm.s32 $0x108;
	_ =	swait.ge @!p0 [sflag:s8], $0x0  }
0x24: {  	s3 =	sadd.s32 $0x88, s3;
	s6 =	simm.s32 @!p1 $0x1082;
	[sflag:s4] =	ssyncset.s32 $0xFFFFF086  }
0x25: {  	[simem:s6], [sflag:s4] =	dma.local [hbm:s3], $0xF7A  }
0x26: {  	[smem:$0x3F9B] =	sst s1;
	(tag) =	ssettag s2;
	_ =	strace s9  }
0x27: {  	s1 =	sld [smem:$0x3FAB]  }
0x28: {  	s2 =	sld [smem:$0x3FAC]  }
0x29: {  	s4 =	sld [smem:$0x3FAE]  }
0x2a: {  	p0 =	seq.s32 s5, $0x0;
	s5 =	sld [smem:$0x3FAF]  }
0x2b: {  	s6 =	sld [smem:$0x3FB0]  }
0x2c: {  	s7 =	sld [smem:$0x3FB1]  }
0x2d: {  	s3 =	simm.s32 $0x108;
	s8 =	sld [smem:$0x3FB2]  }
0x2e: {  	s3 =	simm.s32 @!p0 $0x1082;
	s9 =	sld [smem:$0x3FB3]  }
0x2f: {  	lr =	sadd.s32 s0, s3;
	s0 =	sld [smem:$0x3FAA]  }
0x30: {  	s3 =	sld [smem:$0x3FAD]  }
0x31: {  	[smem:$0x3FB6] =	sst s10  }
0x32: {  	s10 =	sld [smem:$0x3FB4];
	_ =	sdelay $0x3  }
0x33: {  	p0 =	seq.s32 s10, $0x1;
	s10 =	sld [smem:$0x3FB6];
	_ =	sdelay $0x3  }
0x34: {  	[smem:$0x3FB6] =	sst s10  }
0x35: {  	s10 =	sld [smem:$0x3FB5];
	_ =	sdelay $0x3  }
0x36: {  	p1 =	seq.s32 s10, $0x1;
	s10 =	sld [smem:$0x3FB6];
	_ =	sdelay $0x3  }
0x37: {  	[smem:$0x3FB6] =	sst s10  }
0x38: {  	s10 =	sld [smem:$0x3FB7]  }
0x39: {  	_ = 	snop;
	(pc) =	sbr.ind lr, $3  }
0x3a: {  	_ = 	snop  }
0x3b: {  	_ = 	snop  }
0x3c: {  	p2 =	seq.s32 s10, $0x1;
	s10 =	sld [smem:$0x3FB6]  }
0x3d: {  	_ =	shalt  }
0x3e: {  	_ =	shalt  }
0x3f: {  	_ =	shalt  }
0x40: {  	_ =	shalt  }
0x41: {  	_ =	shalt  }
0x42: {  	_ =	shalt  }
0x43: {  	_ =	shalt  }
0x44: {  	_ =	shalt  }
0x45: {  	_ =	shalt  }
0x46: {  	_ =	shalt  }
0x47: {  	_ =	shalt  }
0x48: {  	_ =	shalt  }
0x49: {  	_ =	shalt  }
0x4a: {  	_ =	shalt  }
0x4b: {  	_ =	shalt  }
0x4c: {  	_ =	shalt  }
0x4d: {  	_ =	shalt  }
0x4e: {  	_ =	shalt  }
0x4f: {  	_ =	shalt  }
0x50: {  	_ =	shalt  }
0x51: {  	_ =	shalt  }
0x52: {  	_ =	shalt  }
0x53: {  	_ =	shalt  }
0x54: {  	_ =	shalt  }
0x55: {  	_ =	shalt  }
0x56: {  	_ =	shalt  }
0x57: {  	_ =	shalt  }
0x58: {  	_ =	shalt  }
0x59: {  	_ =	shalt  }
0x5a: {  	_ =	shalt  }
0x5b: {  	_ =	shalt  }
0x5c: {  	_ =	shalt  }
0x5d: {  	_ =	shalt  }
0x5e: {  	_ =	shalt  }
0x5f: {  	_ =	shalt  }
0x60: {  	_ =	shalt  }
0x61: {  	_ =	shalt  }
0x62: {  	_ =	shalt  }
0x63: {  	_ =	shalt  }
0x64: {  	_ =	shalt  }
0x65: {  	_ =	shalt  }
0x66: {  	_ =	shalt  }
0x67: {  	_ =	shalt  }
0x68: {  	_ =	shalt  }
0x69: {  	_ =	shalt  }
0x6a: {  	_ =	shalt  }
0x6b: {  	_ =	shalt  }
0x6c: {  	_ =	shalt  }
0x6d: {  	_ =	shalt  }
0x6e: {  	_ =	shalt  }
0x6f: {  	_ =	shalt  }
0x70: {  	_ =	shalt  }
0x71: {  	_ =	shalt  }
0x72: {  	_ =	shalt  }
0x73: {  	_ =	shalt  }
0x74: {  	_ =	shalt  }
0x75: {  	_ =	shalt  }
0x76: {  	_ =	shalt  }
0x77: {  	_ =	shalt  }
0x78: {  	_ =	shalt  }
0x79: {  	_ =	shalt  }
0x7a: {  	_ =	shalt  }
0x7b: {  	_ =	shalt  }
0x7c: {  	_ =	shalt  }
0x7d: {  	_ =	shalt  }
0x7e: {  	_ =	shalt  }
0x7f: {  	_ =	shalt  }
0x80: {  	_ =	shalt  }
0x81: {  	_ =	shalt  }
0x82: {  	_ =	shalt  }
0x83: {  	_ =	shalt  }
0x84: {  	_ =	shalt  }
0x85: {  	_ =	shalt  }
0x86: {  	_ =	shalt  }
0x87: {  	_ =	shalt  }
.Lfunc_end0:
.L_simem_size_0:
called_computation.2_lowered:
.L_overlay_start_0:
0x88: {  	s2 =	sld [smem:$0x3FD9]  }
0x89: {  	s3 =	sld [smem:$0x3FFE];
	_ =	sdelay $0x1  }
0x8a: {  	s1 =	srdreg.scid  }
0x8b: {  	s0 =	sand.u32 $0x1, s1  }
0x8c: {  	s17 =	sshll.u32 s0, $0xA;
	s2 =	sadd.s32 s3, s2  }
0x8d: {  	s2 =	sadd.s32 s2, s17  }
0x8e: {  	[smem:$0x3FC2] =	sst s2  }
0x8f: {  	_ = 	snop  }
0x90: {  	s2 =	sld [smem:$0x3FD0];
	(tm) =	ssettm $0x1  }
0x91: {  	s18 =	sld [smem:$0x3FFB];
	_ =	sdelay $0x3  }
0x92: {  	_ =	strace s18  }
0x93: {  	s3 =	sld [smem:$0x3FFC];
	_ =	sdelay $0x3  }
0x94: {  	_ =	strace s3  }
0x95: {  	s3 =	sld [smem:$0x3FFD];
	_ =	sdelay $0x3  }
0x96: {  	_ =	strace s3  }
0x97: {  	_ =	strace $0x8FFFFFFF  }
0x98: {  	s19 =	sld [smem:$0x3FDB];
	_ =	sdelay $0x1  }
0x99: {  	s4 =	simm.s32 $_scs_section_size  }
0x9a: {  	s5 =	simm.s32 $_size__tile_overlayer_lowered;
	s6 =	simm.s32 $_tile_overlayer_lowered  }
0x9b: {  	s22 =	simm.s32 $0x1BFF;
	s21 =	sshll.u32 s6, $0x1;
	s3 =	sadd.s32 s4, s19  }
0x9c: {  	s7 =	simm.s32 $0x0;
	s20 =	sshll.u32 s5, $0x1;
	s5 =	sadd.s32 s21, s3  }
0x9d: {  	[timem:s7], [sflag:s22] =	dma.local [hbm:s5], s20  }
0x9e: {  	_ =	swait.ge [sflag:s22], s20  }
0x9f: {  	s4 =	ssub.s32 $0x0, s20;
	[sflag:s22] =	ssyncset.done $0x0  }
0xa0: {  	[sflag:s22] =	ssyncadd.s32 s4;
	_ =	sdelay $0x1  }
0xa1: {  	s23 =	simm.s32 $0x1B8B  }
0xa2: {  	_ =	swait.ge [sflag:s23], $0x1  }
0xa3: {  	[sflag:s23] =	ssyncset.done $0x0  }
0xa4: {  	s25 =	simm.s32 $0x1B8E;
	s24 =	sld [smem:$0x3FFE];
	[sflag:s23] =	ssyncadd.s32 $0xFFFFFFFF  }
0xa5: {  	s26 =	simm.s32 $execute0_lowered;
	[smem:$0x3FD2] =	sst s25  }
0xa6: {  	s5 =	sshll.u32 s26, $0x1;
	_ =	strace $0x8000004C;
	[dreg:$0x1] =	wrdreg $0xFFFFFFFF  }
0xa7: {  	s28 =	simm.s32 $_size_execute0_lowered;
	s3 =	sadd.s32 s3, s5;
	[dreg:$0x0] =	wrdreg $0x0  }
0xa8: {  	s5 =	sshll.u32 s28, $0x1;
	[dreg:$0x2] =	wrdreg s3  }
0xa9: {  	[dreg:$0x3] =	wrdreg s5  }
0xaa: {  	[dreg:$0x4] =	wrdreg $0xC0  }
0xab: {  	_ =	task [dreg:s7], $0x5FFFF  }
0xac: {  	[dreg:$0x1] =	wrdreg $0xFFFFFFFF  }
0xad: {  	[dreg:$0x0] =	wrdreg $0x60  }
0xae: {  	[dreg:$0x2] =	wrdreg s24  }
0xaf: {  	[dreg:$0x3] =	wrdreg s2  }
0xb0: {  	[dreg:$0x4] =	wrdreg $0x77400  }
0xb1: {  	[dreg:$0x5] =	wrdreg $0x9  }
0xb2: {  	_ =	task.clear_ibuf [dreg:s7], $0x6FFFF;
	_ =	strace $0x9000004C  }
0xb3: {  	s29 =	simm.s32 $0x9;
	_ =	strace $0x8000004E  }
0xb4: {  	_ =	swait.ge [sflag:s29], $0x1  }
0xb5: {  	[sflag:s29] =	ssyncadd.s32 $0xFFFFFFFF  }
0xb6: {  	_ =	strace $0x9000004E  }
0xb7: {  	_ =	sfence  }
0xb8: {  	s30 =	sld [smem:$0x0];
	_ =	sdelay $0x2  }
0xb9: {  	s31 =	sshll.u32 s1, $0xD;
	s1 =	sshrl.u32 s1, $0x2  }
0xba: {  	s3 =	sand.u32 $0x4000, s31;
	s1 =	sadd.s32 s1, s30  }
0xbb: {  	s0 =	sor.u32 s3, s0;
	s1 =	sshll.u32 s1, $0x11  }
0xbc: {  	s0 =	sor.u32 s1, s0  }
0xbd: {  	s0 =	sadd.s32 $0x8F2B, s0  }
0xbe: {  	[sflag:s0] =	ssyncadd.remote.s32 $0x1  }
0xbf: {  	_ =	sfence.sel $0xFFFF  }
0xc0: {  	[dreg:$0x0] =	wrdreg $0xFFFFFFFF;
	(pc) =	sbr.abs _section_cstart, $3  }
0xc1: {  	[dreg:$0x1] =	wrdreg $0xFFFFFFFF  }
0xc2: {  	_ =	task.clear_ibuf [dreg:s7], $0x2FFFF;
	_ =	strace $0x9FFFFFFF  }
0xc3: {  	(tm) =	ssettm $0x7FFFFFFF  }
tec
execute0_lowered:
.L_overlay_start_1:
0x0: {  	(tag) =	ssettag $0x1  }
0x1: {  	s0 =	rddreg [dreg:$0x0]  }
0x2: {  	s1 =	rddreg [dreg:$0x1]  }
0x3: {  	s2 =	rddreg [dreg:$0x2]  }
0x4: {  	s3 =	srdreg.scid;
	s8 =	stileid.u32  }
0x5: {  	s5 =	simm.s32 $0x0;
	s14 =	simm.s32 $0x9;
	s15 =	simm.s32 $0x2800  }
0x6: {  	s16 =	simm.s32 $0x6F40;
	s17 =	simm.s32 $0x7D;
	s18 =	simm.s32 $0x5000  }
0x7: {  	s20 =	simm.s32 $0x57D0;
	s21 =	simm.s32 $0x1;
	s23 =	simm.s32 $0x5FA0  }
0x8: {  	s28 =	simm.s32 $0x6770;
	s29 =	simm.s32 $0x3;
	s31 =	simm.s32 $0x5  }
0x9: {  	s22 =	simm.s32 $0x6;
	s30 =	simm.s32 $0x8;
	s3 =	sand.u32 $0x1, s3  }
0xa: {  	s7 =	smul.u32 $0x2800, s8;
	[smem:$0x7FF] =	sst s5;
	s4 =	sshll.u32 s3, $0x4  }
0xb: {  	s24 =	smul.u32 $0x28000, s3;
	_ =	strace $0x8000004D;
	s3 =	ssub.s32 $0x2, s3  }
0xc: {  	s4 =	sor.u32 s8, s4;
	s8 =	smul.u32 $0xA000, s8;
	s25 =	sshrl.u32 s3, $0x1  }
0xd: {  	s6 =	smul.u32 $0x500, s4;
	s4 =	sadd.s32 $0x2400, s0;
	s5 =	sadd.s32 s7, s24  }
0xe: {  	s3 =	ssub.s32 s3, s25;
	s7 =	sadd.s32 s7, s2;
	s24 =	simm.s32 $0x2  }
0xf: {  	s5 =	sshrl.u32 s5, $0x3;
	s8 =	sshrl.u32 s8, $0x2;
	s13 =	smax.u32 s3, $0x1  }
.Ltmp0:
0x10: {  	s9 =	sadd.s32 s6, s0;
	s1 =	sadd.s32 s1, s6;
	(pc) =	sbr.rel .LBB2_1-.Ltmp0, $4  }
0x11: {  	s0 =	sadd.s32 s5, s0;
	s26 =	sadd.s32 s8, s2;
	[dreg:$0x4] =	wrdreg s1  }
0x12: {  	s6 =	sadd.s32 $0x16200, s9;
	s8 =	sadd.s32 $0x800, s26;
	s9 =	sadd.s32 $0x1000, s26  }
0x13: {  	s10 =	sadd.s32 $0x1800, s26;
	s11 =	sadd.s32 $0x2000, s26;
	s12 =	sadd.s32 $0x7400, s0  }
0x14: {  	v0 =	vimm.f32 $0.0e+00;
	s1 =	simm.s32 $0x4;
	s26 =	simm.s32 $0x7;
	s0 =	simm.s32 $0x0  }
.LBB2_6:
0x15: {  	_ =	swait.ge [sflag:s1], $0x7D0  }
0x16: {  	[sflag:s1] =	ssyncset.done $0x0  }
0x17: {  	[sflag:s1] =	ssyncadd.s32 $0xFFFFF830  }
0x18: {  	[spmem:s2] =	stream.indirect.scatter.add.f32 [tilespmem:s28], [sflag:$0x8], $0x10, s3, s17, $0xb8;
	[tilespmem:$0x9F40] =	vst v63  }
0x19: {  	_ =	swait.ge [sflag:s31], $0x7D0  }
0x1a: {  	[sflag:s31] =	ssyncset.done $0x0  }
0x1b: {  	[sflag:s31] =	ssyncadd.s32 $0xFFFFF830  }
0x1c: {  	_ =	swait.ge [sflag:s22], $0x7D0  }
0x1d: {  	[sflag:s22] =	ssyncset.done $0x0  }
0x1e: {  	[sflag:s22] =	ssyncadd.s32 $0xFFFFF830  }
0x1f: {  	_ =	swait.ge [sflag:s26], $0x7D0  }
0x20: {  	[sflag:s26] =	ssyncset.done $0x0  }
0x21: {  	[sflag:s26] =	ssyncadd.s32 $0xFFFFF830  }
0x22: {  	s25 =	stileid.u32;
	_ =	swait.ge [sflag:s30], $0x7D0  }
0x23: {  	s5 =	sshrl.u32 s7, $0x3;
	s0 =	sadd.s32 $0x1, s0;
	[sflag:s30] =	ssyncset.done $0x0  }
0x24: {  	p0 =	sne.s32 s0, s13;
	s3 =	sshll.u32 s25, $0x6;
	[sflag:s30] =	ssyncadd.s32 $0xFFFFF830  }
.Ltmp1:
0x25: {  	s3 =	sor.u32 $0x1C09, s3;
	[bflag:$0x0] =	sbarrier.arrive $0xFFFF;
	(pc) =	sbr.rel @!p0 .LBB2_7-.Ltmp1, $4  }
0x26: {  	[hbm:s12], [sflag:s3] =	dma.local [spmem:s5], $0x500  }
0x27: {  	_ =	swait.ge [sflag:s14], $0x500  }
0x28: {  	[sflag:s14] =	ssyncset.done $0x0  }
0x29: {  	[sflag:s14] =	ssyncadd.s32 $0xFFFFFB00  }
.LBB2_1:
0x2a: {  	s3 =	simm.s32 $0x0;
	s5 =	rddreg [dreg:$0x4]  }
0x2b: {  	[tilespmem:s3], [sflag:$0x9] =	stream.linear.gather [hbm4b:s5+s3], $0x2800, $0x38;
	[tilespmem:$0x9F40] =	vst v63  }
0x2c: {  	_ =	swait.ge [sflag:s14], $0x2800  }
0x2d: {  	[sflag:s14] =	ssyncset.done $0x0  }
0x2e: {  	[sflag:s14] =	ssyncadd.s32 $0xFFFFD800  }
0x2f: {  	[tilespmem:s15], [sflag:$0x9] =	stream.linear.gather [hbm4b:s6+s3], $0x2800, $0x38;
	[tilespmem:$0x9F40] =	vst v63  }
0x30: {  	_ =	swait.ge [sflag:s14], $0x2800  }
0x31: {  	[sflag:s14] =	ssyncset.done $0x0  }
0x32: {  	s19 =	simm.s32 $0x0;
	s3 =	simm.s32 $0x40;
	[sflag:s14] =	ssyncadd.s32 $0xFFFFD800  }
.LBB2_2:
0x33: {  	p0 =	sne.s32 s3, $0x1FC0;
	[tilespmem:s19+$0x6F40] =	vst v0;
	s19 =	smov.u32 s3;
	s3 =	sadd.s32 $0x40, s3  }
.Ltmp2:
0x34: {  	(pc) =	sbr.rel @p0 .LBB2_2-.Ltmp2, $2  }
0x35: {  	_ =	sdelay $0x2  }
0x36: {  	s19 =	sshra.s32 s19, $0x2  }
0x37: {  	[tilespmem:s19+$0x6F40] =	vst v0  }
0x38: {  	[spmem:s7] =	stream.linear.scatter [tilespmem:s16], [sflag:$0x9], $0x800, $0x38;
	[tilespmem:$0x9F40] =	vst v63  }
0x39: {  	_ =	swait.ge [sflag:s14], $0x800  }
0x3a: {  	[sflag:s14] =	ssyncset.done $0x0  }
0x3b: {  	[sflag:s14] =	ssyncadd.s32 $0xFFFFF800  }
0x3c: {  	[spmem:s8] =	stream.linear.scatter [tilespmem:s16], [sflag:$0x9], $0x800, $0x38;
	[tilespmem:$0x9F40] =	vst v63  }
0x3d: {  	_ =	swait.ge [sflag:s14], $0x800  }
0x3e: {  	[sflag:s14] =	ssyncset.done $0x0  }
0x3f: {  	[sflag:s14] =	ssyncadd.s32 $0xFFFFF800  }
0x40: {  	[spmem:s9] =	stream.linear.scatter [tilespmem:s16], [sflag:$0x9], $0x800, $0x38;
	[tilespmem:$0x9F40] =	vst v63  }
0x41: {  	_ =	swait.ge [sflag:s14], $0x800  }
0x42: {  	[sflag:s14] =	ssyncset.done $0x0  }
0x43: {  	[sflag:s14] =	ssyncadd.s32 $0xFFFFF800  }
0x44: {  	[spmem:s10] =	stream.linear.scatter [tilespmem:s16], [sflag:$0x9], $0x800, $0x38;
	[tilespmem:$0x9F40] =	vst v63  }
0x45: {  	_ =	swait.ge [sflag:s14], $0x800  }
0x46: {  	[sflag:s14] =	ssyncset.done $0x0  }
0x47: {  	[sflag:s14] =	ssyncadd.s32 $0xFFFFF800  }
0x48: {  	[spmem:s11] =	stream.linear.scatter [tilespmem:s16], [sflag:$0x9], $0x800, $0x38;
	[tilespmem:$0x9F40] =	vst v63  }
0x49: {  	_ =	swait.ge [sflag:s14], $0x800  }
0x4a: {  	[sflag:s14] =	ssyncset.done $0x0  }
0x4b: {  	[sflag:s14] =	ssyncadd.s32 $0xFFFFF800  }
0x4c: {  	s19 =	simm.s32 $0x0;
	[bflag:$0x0] =	sbarrier.arrive $0xFFFF  }
0x4d: {  	[tilespmem:s18], [sflag:$0x1] =	stream.indirect.gather [hbm4b:s4+s17], $0x10, s19, s17, $0xb8;
	[tilespmem:$0x9F40] =	vst v63  }
0x4e: {  	s3 =	simm.s32 $0x80  }
0x4f: {  	[tilespmem:s20], [sflag:$0x2] =	stream.indirect.gather [hbm4b:s4+s17], $0x10, s3, s17, $0xb8;
	[tilespmem:$0x9F40] =	vst v63  }
0x50: {  	_ =	swait.ge [sflag:s21], $0x7D0  }
0x51: {  	[sflag:s21] =	ssyncset.done $0x0  }
0x52: {  	[sflag:s21] =	ssyncadd.s32 $0xFFFFF830  }
0x53: {  	[spmem:s2] =	stream.indirect.scatter.add.f32 [tilespmem:s18], [sflag:$0x5], $0x10, s15, s17, $0xb8;
	[tilespmem:$0x9F40] =	vst v63  }
0x54: {  	s25 =	simm.s32 $0x100  }
0x55: {  	[tilespmem:s23], [sflag:$0x3] =	stream.indirect.gather [hbm4b:s4+s17], $0x10, s25, s17, $0xb8;
	[tilespmem:$0x9F40] =	vst v63  }
0x56: {  	_ =	swait.ge [sflag:s24], $0x7D0  }
0x57: {  	[sflag:s24] =	ssyncset.done $0x0  }
0x58: {  	s5 =	simm.s32 $0x2880;
	[sflag:s24] =	ssyncadd.s32 $0xFFFFF830  }
0x59: {  	[spmem:s2] =	stream.indirect.scatter.add.f32 [tilespmem:s20], [sflag:$0x6], $0x10, s5, s17, $0xb8;
	[tilespmem:$0x9F40] =	vst v63  }
0x5a: {  	s25 =	simm.s32 $0x180  }
0x5b: {  	[tilespmem:s28], [sflag:$0x4] =	stream.indirect.gather [hbm4b:s4+s17], $0x10, s25, s17, $0xb8;
	[tilespmem:$0x9F40] =	vst v63  }
0x5c: {  	_ =	swait.ge [sflag:s29], $0x7D0  }
0x5d: {  	[sflag:s29] =	ssyncset.done $0x0  }
0x5e: {  	s5 =	simm.s32 $0x2900;
	[sflag:s29] =	ssyncadd.s32 $0xFFFFF830  }
0x5f: {  	[spmem:s2] =	stream.indirect.scatter.add.f32 [tilespmem:s23], [sflag:$0x7], $0x10, s5, s17, $0xb8;
	[tilespmem:$0x9F40] =	vst v63  }
0x60: {  	_ =	swait.ge [sflag:s31], $0x7D0  }
0x61: {  	[sflag:s31] =	ssyncset.done $0x0  }
0x62: {  	s25 =	simm.s32 $0x200;
	[sflag:s31] =	ssyncadd.s32 $0xFFFFF830  }
0x63: {  	[tilespmem:s18], [sflag:$0x1] =	stream.indirect.gather [hbm4b:s4+s17], $0x10, s25, s17, $0xb8;
	[tilespmem:$0x9F40] =	vst v63  }
0x64: {  	_ =	swait.ge [sflag:s1], $0x7D0  }
0x65: {  	[sflag:s1] =	ssyncset.done $0x0  }
0x66: {  	s5 =	simm.s32 $0x2980;
	[sflag:s1] =	ssyncadd.s32 $0xFFFFF830  }
0x67: {  	[spmem:s2] =	stream.indirect.scatter.add.f32 [tilespmem:s28], [sflag:$0x8], $0x10, s5, s17, $0xb8;
	[tilespmem:$0x9F40] =	vst v63  }
0x68: {  	_ =	swait.ge [sflag:s22], $0x7D0  }
0x69: {  	[sflag:s22] =	ssyncset.done $0x0  }
0x6a: {  	s25 =	simm.s32 $0x280;
	[sflag:s22] =	ssyncadd.s32 $0xFFFFF830  }
0x6b: {  	[tilespmem:s20], [sflag:$0x2] =	stream.indirect.gather [hbm4b:s4+s17], $0x10, s25, s17, $0xb8;
	[tilespmem:$0x9F40] =	vst v63  }
.LBB2_4:
0x6c: {  	_ =	swait.ge [sflag:s21], $0x7D0  }
0x6d: {  	s25 =	sshra.s32 s19, $0x2;
	[sflag:s21] =	ssyncset.done $0x0  }
0x6e: {  	s3 =	sadd.s32 $0x2A00, s25;
	[sflag:s21] =	ssyncadd.s32 $0xFFFFF830  }
0x6f: {  	[spmem:s2] =	stream.indirect.scatter.add.f32 [tilespmem:s18], [sflag:$0x5], $0x10, s3, s17, $0xb8;
	[tilespmem:$0x9F40] =	vst v63  }
0x70: {  	_ =	swait.ge [sflag:s26], $0x7D0  }
0x71: {  	[sflag:s26] =	ssyncset.done $0x0  }
0x72: {  	s5 =	sadd.s32 $0x300, s25;
	[sflag:s26] =	ssyncadd.s32 $0xFFFFF830  }
0x73: {  	[tilespmem:s23], [sflag:$0x3] =	stream.indirect.gather [hbm4b:s4+s17], $0x10, s5, s17, $0xb8;
	[tilespmem:$0x9F40] =	vst v63  }
0x74: {  	_ =	swait.ge [sflag:s24], $0x7D0  }
0x75: {  	[sflag:s24] =	ssyncset.done $0x0  }
0x76: {  	s5 =	sadd.s32 $0x2A80, s25;
	[sflag:s24] =	ssyncadd.s32 $0xFFFFF830  }
0x77: {  	[spmem:s2] =	stream.indirect.scatter.add.f32 [tilespmem:s20], [sflag:$0x6], $0x10, s5, s17, $0xb8;
	[tilespmem:$0x9F40] =	vst v63  }
0x78: {  	_ =	swait.ge [sflag:s30], $0x7D0  }
0x79: {  	[sflag:s30] =	ssyncset.done $0x0  }
0x7a: {  	p0 =	seq.s32 s19, $0x9000;
	s5 =	sadd.s32 $0x380, s25;
	[sflag:s30] =	ssyncadd.s32 $0xFFFFF830  }
0x7b: {  	[tilespmem:s28], [sflag:$0x4] =	stream.indirect.gather [hbm4b:s4+s17], $0x10, s5, s17, $0xb8;
	[tilespmem:$0x9F40] =	vst v63  }
.Ltmp3:
0x7c: {  	_ = 	snop;
	(pc) =	sbr.rel @p0 .LBB2_6-.Ltmp3, $4  }
0x7d: {  	_ =	swait.ge [sflag:s29], $0x7D0  }
0x7e: {  	[sflag:s29] =	ssyncset.done $0x0  }
0x7f: {  	s3 =	sadd.s32 $0x2B80, s25;
	s5 =	sadd.s32 $0x2B00, s25;
	[sflag:s29] =	ssyncadd.s32 $0xFFFFF830  }
0x80: {  	[spmem:s2] =	stream.indirect.scatter.add.f32 [tilespmem:s23], [sflag:$0x7], $0x10, s5, s17, $0xb8;
	[tilespmem:$0x9F40] =	vst v63  }
0x81: {  	_ =	swait.ge [sflag:s31], $0x7D0  }
0x82: {  	[sflag:s31] =	ssyncset.done $0x0  }
0x83: {  	s5 =	sadd.s32 $0x400, s25;
	[sflag:s31] =	ssyncadd.s32 $0xFFFFF830  }
0x84: {  	[tilespmem:s18], [sflag:$0x1] =	stream.indirect.gather [hbm4b:s4+s17], $0x10, s5, s17, $0xb8;
	[tilespmem:$0x9F40] =	vst v63  }
0x85: {  	_ =	swait.ge [sflag:s1], $0x7D0  }
0x86: {  	[sflag:s1] =	ssyncset.done $0x0  }
0x87: {  	[sflag:s1] =	ssyncadd.s32 $0xFFFFF830  }
0x88: {  	[spmem:s2] =	stream.indirect.scatter.add.f32 [tilespmem:s28], [sflag:$0x8], $0x10, s3, s17, $0xb8;
	[tilespmem:$0x9F40] =	vst v63  }
.Ltmp4:
0x89: {  	_ = 	snop;
	(pc) =	sbr.rel .LBB2_4-.Ltmp4, $4  }
0x8a: {  	_ =	swait.ge [sflag:s22], $0x7D0  }
0x8b: {  	[sflag:s22] =	ssyncset.done $0x0  }
0x8c: {  	s25 =	sadd.s32 $0x480, s25;
	s19 =	sadd.s32 $0x800, s19;
	[sflag:s22] =	ssyncadd.s32 $0xFFFFF830  }
0x8d: {  	[tilespmem:s20], [sflag:$0x2] =	stream.indirect.gather [hbm4b:s4+s17], $0x10, s25, s17, $0xb8;
	[tilespmem:$0x9F40] =	vst v63  }
.LBB2_7:
0x8e: {  	_ =	sfence.sel $0x180000  }
0x8f: {  	[bflag:$0x0] =	sbarrier.arrive $0xFFFF  }
0x90: {  	_ =	strace $0x9000004D  }
0x91: {  	s0 =	stileid.u32;
	[bflag:$0x2] =	sbarrier.arrive $0xFFFF  }
0x92: {  	p0 =	sne.s32 s0, $0x0;
	s0 =	rddreg [dreg:$0x3]  }
0x93: {  	s0 =	sadd.s32 @!p0 $0x100000, s0  }
0x94: {  	[sflag:s0] =	ssyncadd.tile.s32 @!p0 $0x1;
	_ =	shalt  }
.Lfunc_end2:
_tile_overlayer_lowered:
.L_overlay_start_2:
0x95: {  	(tag) =	ssettag $0x2  }
0x96: {  	s0 =	rddreg [dreg:$0x0];
	s2 =	stileid.u32  }
0x97: {  	s1 =	rddreg [dreg:$0x1];
	p0 =	sne.s32 s2, $0x0  }
0x98: {  	s3 =	rddreg [dreg:$0x2];
	[bflag:$0x3] =	sbarrier.arrive $0xFFFF;
	s2 =	simm.s32 @!p0 $0x1C09  }
0x99: {  	[timem:s3], [sflag:s2] =	dma.local @!p0 [hbm:s0], s1  }
0x9a: {  	s0 =	simm.s32 @!p0 $0x9  }
0x9b: {  	_ =	swait.ge @!p0 [sflag:s0], s1  }
0x9c: {  	s1 =	ssub.s32 @!p0 $0x0, s1;
	[sflag:s0] =	ssyncset.done @!p0 $0x0  }
0x9d: {  	[sflag:s0] =	ssyncadd.s32 @!p0 s1  }
0x9e: {  	[bflag:$0x3] =	sbarrier.arrive $0xFFFF  }
0x9f: {  	_ =	shalt  }

// kernel: kernel.8.cloned.1.call-start
scs
__scs_entry_jumppad:
0x0: {  	(pc) =	sbr.rel $0x88, $3  }
0x1: {  	(tag) =	ssettag $0x0;
	lr =	simm.s32 $0x1  }
0x2: {  	[smem:$0x3F9B] =	sst lr;
	_ =	strace $0xD0000000  }
0x3: {  	_ = 	snop  }
0x4: {  	_ = 	snop  }
0x5: {  	_ = 	snop  }
0x6: {  	_ = 	snop  }
0x7: {  	_ = 	snop  }
__scs_overlays_trampoline_lowered:
0x8: {  	[smem:$0x3FAA] =	sst s0  }
0x9: {  	[smem:$0x3FAB] =	sst s1  }
0xa: {  	[smem:$0x3FAC] =	sst s2  }
0xb: {  	[smem:$0x3FAD] =	sst s3  }
0xc: {  	[smem:$0x3FAE] =	sst s4  }
0xd: {  	[smem:$0x3FAF] =	sst s5  }
0xe: {  	[smem:$0x3FB0] =	sst s6  }
0xf: {  	[smem:$0x3FB1] =	sst s7  }
0x10: {  	[smem:$0x3FB2] =	sst s8  }
0x11: {  	[smem:$0x3FB3] =	sst s9;
	s0 =	simm.s32 @!p0 $0x0  }
0x12: {  	s1 =	sld [smem:$0x3F99];
	s0 =	simm.s32 @p0 $0x1  }
0x13: {  	[smem:$0x3FB4] =	sst s0;
	s0 =	simm.s32 @!p1 $0x0  }
0x14: {  	s2 =	sld [smem:$0x3F98];
	s0 =	simm.s32 @p1 $0x1  }
0x15: {  	[smem:$0x3FB5] =	sst s0;
	s0 =	simm.s32 @!p2 $0x0  }
0x16: {  	s3 =	sld [smem:$0x3FDB];
	s0 =	simm.s32 @p2 $0x1  }
0x17: {  	s4 =	simm.s32 $0x1BF5;
	[smem:$0x3FB7] =	sst s0  }
0x18: {  	s0 =	sld [smem:$0x3F9A];
	_ =	swait.ge [sflag:s4], $0x0  }
0x19: {  	s7 =	sld [smem:$0x3F9B]  }
0x1a: {  	s8 =	sadd.s32 $0xFFFFE003, lr  }
0x1b: {  	s9 =	sadd.s32 $0xFFFFFEF7, lr;
	s5 =	simm.s32 $0xFFFFFFFF;
	p2 =	slt.u32 s8, $0xFFFFF086  }
0x1c: {  	p1 =	slt.u32 s9, $0xF7A;
	s5 =	simm.s32 @!p2 $0x0  }
0x1d: {  	s5 =	simm.s32 @p1 $0x1;
	p0 =	seq.s32 s7, s2  }
0x1e: {  	s7 =	smul.u32 @!p0 $0xF7A, s2;
	p2 =	seq.s32 @!p0 s5, $0x0  }
0x1f: {  	s9 =	smul.u32 $0xF7A, s1;
	s8 =	simm.s32 @!p0 $0x1BF5;
	p2 =	por !p2, p0  }
0x20: {  	[sflag:s8] =	ssyncset.s32 @!p0 $0xFFFFF086;
	s6 =	sadd.s32 @!p0 s3, s7;
	s7 =	simm.s32 @!p0 $0x108  }
0x21: {  	s3 =	sadd.s32 s3, s9;
	s6 =	sadd.s32 @!p0 $0x88, s6;
	s7 =	simm.s32 @p2 $0x1082  }
0x22: {  	[simem:s7], [sflag:s8] =	dma.local @!p0 [hbm:s6], $0xF7A  }
0x23: {  	s9 =	sor.u32 $0xD0000000, s2;
	s6 =	simm.s32 $0x108;
	_ =	swait.ge @!p0 [sflag:s8], $0x0  }
0x24: {  	s3 =	sadd.s32 $0x88, s3;
	s6 =	simm.s32 @!p1 $0x1082;
	[sflag:s4] =	ssyncset.s32 $0xFFFFF086  }
0x25: {  	[simem:s6], [sflag:s4] =	dma.local [hbm:s3], $0xF7A  }
0x26: {  	[smem:$0x3F9B] =	sst s1;
	(tag) =	ssettag s2;
	_ =	strace s9  }
0x27: {  	s1 =	sld [smem:$0x3FAB]  }
0x28: {  	s2 =	sld [smem:$0x3FAC]  }
0x29: {  	s4 =	sld [smem:$0x3FAE]  }
0x2a: {  	p0 =	seq.s32 s5, $0x0;
	s5 =	sld [smem:$0x3FAF]  }
0x2b: {  	s6 =	sld [smem:$0x3FB0]  }
0x2c: {  	s7 =	sld [smem:$0x3FB1]  }
0x2d: {  	s3 =	simm.s32 $0x108;
	s8 =	sld [smem:$0x3FB2]  }
0x2e: {  	s3 =	simm.s32 @!p0 $0x1082;
	s9 =	sld [smem:$0x3FB3]  }
0x2f: {  	lr =	sadd.s32 s0, s3;
	s0 =	sld [smem:$0x3FAA]  }
0x30: {  	s3 =	sld [smem:$0x3FAD]  }
0x31: {  	[smem:$0x3FB6] =	sst s10  }
0x32: {  	s10 =	sld [smem:$0x3FB4];
	_ =	sdelay $0x3  }
0x33: {  	p0 =	seq.s32 s10, $0x1;
	s10 =	sld [smem:$0x3FB6];
	_ =	sdelay $0x3  }
0x34: {  	[smem:$0x3FB6] =	sst s10  }
0x35: {  	s10 =	sld [smem:$0x3FB5];
	_ =	sdelay $0x3  }
0x36: {  	p1 =	seq.s32 s10, $0x1;
	s10 =	sld [smem:$0x3FB6];
	_ =	sdelay $0x3  }
0x37: {  	[smem:$0x3FB6] =	sst s10  }
0x38: {  	s10 =	sld [smem:$0x3FB7]  }
0x39: {  	_ = 	snop;
	(pc) =	sbr.ind lr, $3  }
0x3a: {  	_ = 	snop  }
0x3b: {  	_ = 	snop  }
0x3c: {  	p2 =	seq.s32 s10, $0x1;
	s10 =	sld [smem:$0x3FB6]  }
0x3d: {  	_ =	shalt  }
0x3e: {  	_ =	shalt  }
0x3f: {  	_ =	shalt  }
0x40: {  	_ =	shalt  }
0x41: {  	_ =	shalt  }
0x42: {  	_ =	shalt  }
0x43: {  	_ =	shalt  }
0x44: {  	_ =	shalt  }
0x45: {  	_ =	shalt  }
0x46: {  	_ =	shalt  }
0x47: {  	_ =	shalt  }
0x48: {  	_ =	shalt  }
0x49: {  	_ =	shalt  }
0x4a: {  	_ =	shalt  }
0x4b: {  	_ =	shalt  }
0x4c: {  	_ =	shalt  }
0x4d: {  	_ =	shalt  }
0x4e: {  	_ =	shalt  }
0x4f: {  	_ =	shalt  }
0x50: {  	_ =	shalt  }
0x51: {  	_ =	shalt  }
0x52: {  	_ =	shalt  }
0x53: {  	_ =	shalt  }
0x54: {  	_ =	shalt  }
0x55: {  	_ =	shalt  }
0x56: {  	_ =	shalt  }
0x57: {  	_ =	shalt  }
0x58: {  	_ =	shalt  }
0x59: {  	_ =	shalt  }
0x5a: {  	_ =	shalt  }
0x5b: {  	_ =	shalt  }
0x5c: {  	_ =	shalt  }
0x5d: {  	_ =	shalt  }
0x5e: {  	_ =	shalt  }
0x5f: {  	_ =	shalt  }
0x60: {  	_ =	shalt  }
0x61: {  	_ =	shalt  }
0x62: {  	_ =	shalt  }
0x63: {  	_ =	shalt  }
0x64: {  	_ =	shalt  }
0x65: {  	_ =	shalt  }
0x66: {  	_ =	shalt  }
0x67: {  	_ =	shalt  }
0x68: {  	_ =	shalt  }
0x69: {  	_ =	shalt  }
0x6a: {  	_ =	shalt  }
0x6b: {  	_ =	shalt  }
0x6c: {  	_ =	shalt  }
0x6d: {  	_ =	shalt  }
0x6e: {  	_ =	shalt  }
0x6f: {  	_ =	shalt  }
0x70: {  	_ =	shalt  }
0x71: {  	_ =	shalt  }
0x72: {  	_ =	shalt  }
0x73: {  	_ =	shalt  }
0x74: {  	_ =	shalt  }
0x75: {  	_ =	shalt  }
0x76: {  	_ =	shalt  }
0x77: {  	_ =	shalt  }
0x78: {  	_ =	shalt  }
0x79: {  	_ =	shalt  }
0x7a: {  	_ =	shalt  }
0x7b: {  	_ =	shalt  }
0x7c: {  	_ =	shalt  }
0x7d: {  	_ =	shalt  }
0x7e: {  	_ =	shalt  }
0x7f: {  	_ =	shalt  }
0x80: {  	_ =	shalt  }
0x81: {  	_ =	shalt  }
0x82: {  	_ =	shalt  }
0x83: {  	_ =	shalt  }
0x84: {  	_ =	shalt  }
0x85: {  	_ =	shalt  }
0x86: {  	_ =	shalt  }
0x87: {  	_ =	shalt  }
.Lfunc_end0:
.L_simem_size_0:
called_computation_lowered:
.L_overlay_start_0:
0x88: {  	s2 =	sld [smem:$0x3FD9]  }
0x89: {  	s3 =	sld [smem:$0x3FFE];
	_ =	sdelay $0x1  }
0x8a: {  	s1 =	srdreg.scid  }
0x8b: {  	s0 =	sand.u32 $0x1, s1  }
0x8c: {  	s16 =	sshll.u32 s0, $0xA;
	s2 =	sadd.s32 s3, s2  }
0x8d: {  	s2 =	sadd.s32 s2, s16  }
0x8e: {  	[smem:$0x3FC2] =	sst s2  }
0x8f: {  	_ = 	snop  }
0x90: {  	(tm) =	ssettm $0x1  }
0x91: {  	s17 =	sld [smem:$0x3FFB];
	_ =	sdelay $0x3  }
0x92: {  	_ =	strace s17  }
0x93: {  	s2 =	sld [smem:$0x3FFC];
	_ =	sdelay $0x3  }
0x94: {  	_ =	strace s2  }
0x95: {  	s2 =	sld [smem:$0x3FFD];
	_ =	sdelay $0x3  }
0x96: {  	_ =	strace s2  }
0x97: {  	_ =	strace $0x8FFFFFFF  }
0x98: {  	s18 =	sld [smem:$0x3FDB];
	_ =	sdelay $0x1  }
0x99: {  	s19 =	simm.s32 $_scs_section_size  }
0x9a: {  	s4 =	simm.s32 $_size__tile_overlayer_lowered;
	s5 =	simm.s32 $_tile_overlayer_lowered  }
0x9b: {  	s22 =	simm.s32 $0x1BFF;
	s21 =	sshll.u32 s5, $0x1;
	s2 =	sadd.s32 s19, s18  }
0x9c: {  	s6 =	simm.s32 $0x0;
	s20 =	sshll.u32 s4, $0x1;
	s4 =	sadd.s32 s21, s2  }
0x9d: {  	[timem:s6], [sflag:s22] =	dma.local [hbm:s4], s20  }
0x9e: {  	_ =	swait.ge [sflag:s22], s20  }
0x9f: {  	s3 =	ssub.s32 $0x0, s20;
	[sflag:s22] =	ssyncset.done $0x0  }
0xa0: {  	[sflag:s22] =	ssyncadd.s32 s3;
	_ =	sdelay $0x1  }
0xa1: {  	s23 =	simm.s32 $0x1B8B  }
0xa2: {  	_ =	swait.ge [sflag:s23], $0x1  }
0xa3: {  	[sflag:s23] =	ssyncset.done $0x0  }
0xa4: {  	s25 =	simm.s32 $0x1B8E;
	s24 =	sld [smem:$0x3FFE];
	[sflag:s23] =	ssyncadd.s32 $0xFFFFFFFF  }
0xa5: {  	s26 =	simm.s32 $execute0_lowered;
	[smem:$0x3FD2] =	sst s25  }
0xa6: {  	s4 =	sshll.u32 s26, $0x1;
	_ =	strace $0x80000046;
	[dreg:$0x1] =	wrdreg $0xFFFFFFFF  }
0xa7: {  	s28 =	simm.s32 $_size_execute0_lowered;
	s2 =	sadd.s32 s2, s4;
	[dreg:$0x0] =	wrdreg $0x0  }
0xa8: {  	s4 =	sshll.u32 s28, $0x1;
	[dreg:$0x2] =	wrdreg s2  }
0xa9: {  	[dreg:$0x3] =	wrdreg s4  }
0xaa: {  	[dreg:$0x4] =	wrdreg $0xC0  }
0xab: {  	_ =	task [dreg:s6], $0x5FFFF  }
0xac: {  	[dreg:$0x1] =	wrdreg $0xFFFFFFFF  }
0xad: {  	[dreg:$0x0] =	wrdreg $0x60  }
0xae: {  	[dreg:$0x2] =	wrdreg s24  }
0xaf: {  	[dreg:$0x3] =	wrdreg $0x9  }
0xb0: {  	_ =	task.clear_ibuf [dreg:s6], $0x4FFFF;
	_ =	strace $0x90000046  }
0xb1: {  	s29 =	simm.s32 $0x9;
	_ =	strace $0x80000048  }
0xb2: {  	_ =	swait.ge [sflag:s29], $0x1  }
0xb3: {  	[sflag:s29] =	ssyncadd.s32 $0xFFFFFFFF  }
0xb4: {  	_ =	strace $0x90000048  }
0xb5: {  	_ =	sfence  }
0xb6: {  	s30 =	sld [smem:$0x0];
	_ =	sdelay $0x2  }
0xb7: {  	s31 =	sshll.u32 s1, $0xD;
	s1 =	sshrl.u32 s1, $0x2  }
0xb8: {  	s3 =	sand.u32 $0x4000, s31;
	s1 =	sadd.s32 s1, s30  }
0xb9: {  	s0 =	sor.u32 s3, s0;
	s1 =	sshll.u32 s1, $0x11  }
0xba: {  	s0 =	sor.u32 s1, s0  }
0xbb: {  	s0 =	sadd.s32 $0x8F2B, s0  }
0xbc: {  	[sflag:s0] =	ssyncadd.remote.s32 $0x1  }
0xbd: {  	_ =	sfence.sel $0xFFFF  }
0xbe: {  	[dreg:$0x0] =	wrdreg $0xFFFFFFFF;
	(pc) =	sbr.abs _section_cstart, $3  }
0xbf: {  	[dreg:$0x1] =	wrdreg $0xFFFFFFFF  }
0xc0: {  	_ =	task.clear_ibuf [dreg:s6], $0x2FFFF;
	_ =	strace $0x9FFFFFFF  }
0xc1: {  	(tm) =	ssettm $0x7FFFFFFF  }
tec
execute0_lowered:
.L_overlay_start_1:
0x0: {  	(tag) =	ssettag $0x1  }
0x1: {  	s0 =	srdreg.scid  }
0x2: {  	s3 =	sand.u32 $0x1, s0  }
0x3: {  	s4 =	rddreg [dreg:$0x0];
	s0 =	stileid.u32;
	s1 =	sshll.u32 s3, $0x4  }
0x4: {  	s2 =	simm.s32 $0x0;
	s8 =	simm.s32 $0x0;
	s5 =	sor.u32 s0, s1  }
0x5: {  	[smem:$0x7FF] =	sst s2;
	s3 =	ssub.s32 $0x2, s3;
	s6 =	smul.u32 $0x4E2, s5  }
0x6: {  	s1 =	rddreg [dreg:$0x1];
	s7 =	sshrl.u32 s3, $0x1;
	s5 =	smul.u32 $0x500, s5  }
0x7: {  	_ =	strace $0x80000047;
	s31 =	ssub.s32 s3, s7;
	s7 =	simm.s32 $0x2710  }
0x8: {  	s6 =	sadd.s32 s6, s4;
	s4 =	sadd.s32 s5, s4;
	s5 =	smax.u32 s31, $0x1  }
0x9: {  	v0 =	vimm.f32 $0.0e+00;
	v1 =	vimm.f32 $1.000000000e+00;
	s3 =	sadd.s32 $0x2400, s6;
	s4 =	sadd.s32 $0xC200, s4;
	s6 =	simm.s32 $0x1  }
.LBB2_1:
0xa: {  	[tilespmem:s2], [sflag:$0x1] =	stream.linear.gather [hbm4b:s3+s2], $0x2710, $0x38;
	[tilespmem:$0x4F10] =	vst v63  }
0xb: {  	_ =	swait.ge [sflag:s6], $0x2710  }
0xc: {  	[sflag:s6] =	ssyncset.done $0x0  }
0xd: {  	s9 =	simm.s32 $0xFFFFFB00;
	s10 =	simm.s32 $0xFFFFEC40;
	[sflag:s6] =	ssyncadd.s32 $0xFFFFD8F0  }
.LBB2_2:
0xe: {  	p0 =	sne.s32 s10, $0xFFFFFFC0;
	[tilespmem:s9+$0x4F10] =	vst v0  }
0xf: {  	[tilespmem:s9+$0x2C10] =	vst v0  }
0x10: {  	[tilespmem:s9+$0x3110] =	vst v0  }
.Ltmp0:
0x11: {  	[tilespmem:s9+$0x3610] =	vst v0;
	(pc) =	sbr.rel @p0 .LBB2_2-.Ltmp0, $4  }
0x12: {  	[tilespmem:s9+$0x3B10] =	vst v0  }
0x13: {  	[tilespmem:s9+$0x4010] =	vst v0  }
0x14: {  	[tilespmem:s9+$0x4510] =	vst v0  }
0x15: {  	[tilespmem:s9+$0x4A10] =	vst v0;
	s9 =	sshra.s32 s10, $0x2;
	s10 =	sadd.s32 $0x40, s10  }
0x16: {  	[tilespmem:s9+$0x4F10] =	vst v0  }
0x17: {  	[tilespmem:s9+$0x2C10] =	vst v0  }
0x18: {  	[tilespmem:s9+$0x3110] =	vst v0  }
0x19: {  	[tilespmem:s9+$0x3610] =	vst v0  }
0x1a: {  	[tilespmem:s9+$0x3B10] =	vst v0  }
0x1b: {  	[tilespmem:s9+$0x4010] =	vst v0  }
0x1c: {  	[tilespmem:s9+$0x4510] =	vst v0  }
0x1d: {  	[tilespmem:s9+$0x4A10] =	vst v0;
	s10 =	simm.s32 $0x0;
	s9 =	simm.s32 $0x40  }
.LBB2_4:
0x1e: {  	p0 =	sne.s32 s9, $0x9C00;
	v2 =	vld [tilespmem:s10+$0x0];
	_ =	sdelay $0x4  }
0x1f: {  	v3 =	vand.u32 $0x7, v2  }
0x20: {  	v2 =	vshra.s32 v2, $0x3;
	v3 =	vmul.u32 $0x500, v3  }
0x21: {  	v4 =	vand.u32 $0xFFFFFFF8, v2  }
0x22: {  	v2 =	vand.u32 $0x7, v2;
	v3 =	vadd.s32 v4, v3  }
0x23: {  	v2 =	vor.u32 v2, v3  }
.Ltmp1:
0x24: {  	(pc) =	sbr.rel @p0 .LBB2_4-.Ltmp1, $2  }
0x25: {  	_ =	sdelay $0x2  }
0x26: {  	s10 =	sshra.s32 s9, $0x2;
	s9 =	sadd.s32 $0x40, s9;
	[tilespmem:v2+s7+$0x0] =	vst.idx.add.f32.msk $0xffff, v1  }
0x27: {  	v2 =	vld [tilespmem:s10+$0x0];
	_ =	sdelay $0x4  }
0x28: {  	v3 =	vand.u32 $0x7, v2  }
0x29: {  	v2 =	vshra.s32 v2, $0x3;
	v3 =	vmul.u32 $0x500, v3  }
0x2a: {  	v4 =	vand.u32 $0xFFFFFFF8, v2  }
0x2b: {  	v2 =	vand.u32 $0x7, v2;
	v3 =	vadd.s32 v4, v3  }
0x2c: {  	v2 =	vor.u32 v2, v3;
	_ =	sdelay $0x2  }
0x2d: {  	s8 =	sadd.s32 $0x1, s8  }
0x2e: {  	p0 =	sne.s32 s8, s5  }
.Ltmp2:
0x2f: {  	[tilespmem:v2+s7+$0x0] =	vst.idx.add.f32.msk $0xffff, v1;
	(pc) =	sbr.rel @p0 .LBB2_1-.Ltmp2, $4  }
0x30: {  	[hbm4b:s4+s2] =	stream.linear.scatter [tilespmem:s7], [sflag:$0x1], $0x2800, $0x38;
	[tilespmem:$0x4F10] =	vst v63  }
0x31: {  	_ =	swait.ge [sflag:s6], $0x2800  }
0x32: {  	[sflag:s6] =	ssyncset.done $0x0  }
0x33: {  	[sflag:s6] =	ssyncadd.s32 $0xFFFFD800  }
0x34: {  	_ =	sfence.sel $0x180000  }
0x35: {  	[bflag:$0x0] =	sbarrier.arrive $0xFFFF  }
0x36: {  	p0 =	sne.s32 s0, $0x0;
	_ =	strace $0x90000047  }
0x37: {  	s0 =	sadd.s32 @!p0 $0x100000, s1;
	[bflag:$0x2] =	sbarrier.arrive $0xFFFF  }
0x38: {  	[sflag:s0] =	ssyncadd.tile.s32 @!p0 $0x1;
	_ =	shalt  }
.Lfunc_end2:
_tile_overlayer_lowered:
.L_overlay_start_2:
0x39: {  	(tag) =	ssettag $0x2  }
0x3a: {  	s0 =	rddreg [dreg:$0x0];
	s2 =	stileid.u32  }
0x3b: {  	s1 =	rddreg [dreg:$0x1];
	p0 =	sne.s32 s2, $0x0  }
0x3c: {  	s3 =	rddreg [dreg:$0x2];
	[bflag:$0x3] =	sbarrier.arrive $0xFFFF;
	s2 =	simm.s32 @!p0 $0x1C01  }
0x3d: {  	[timem:s3], [sflag:s2] =	dma.local @!p0 [hbm:s0], s1  }
0x3e: {  	s0 =	simm.s32 @!p0 $0x1  }
0x3f: {  	_ =	swait.ge @!p0 [sflag:s0], s1  }
0x40: {  	s1 =	ssub.s32 @!p0 $0x0, s1;
	[sflag:s0] =	ssyncset.done @!p0 $0x0  }
0x41: {  	[sflag:s0] =	ssyncadd.s32 @!p0 s1  }
0x42: {  	[bflag:$0x3] =	sbarrier.arrive $0xFFFF  }
0x43: {  	_ =	shalt  }

</sc_bundles>
